<compile_context>
chip_gen: v7x
topology: tpu7x:2x2x1
jax: 0.10.2.dev20260603
libtpu: 0.0.44.dev20260713+nightly
codegen_flags: <defaults>
</compile_context>

<pallas_src>
import functools

import jax
import jax.numpy as jnp
from jax import lax
from jax.experimental import pallas as pl
from jax.experimental.pallas import tpu as pltpu
from jax.experimental.pallas import tpu_sc as plsc

N = 10000
E = 320000
D = 128
H = D // 2

NC = 2
NS = 16
L = 16
NPAD = 10240
CHUNK = NPAD // NS
EPW = E // NS
EPW2 = E // (NS * NC)
ALPHA = 0.2


def _edge_body(src_hbm, dst_hbm, score_out, prop_out,
               src_v, dst_v, tbl_v, iota_v, ev_v, evv_v, chunk_v, chunk2_v,
               acc_deg, acc_s, acc_t, sem_s, sem_d):
    tid = lax.axis_index("s")
    ebase = tid * EPW
    nbase = tid * CHUNK
    zeros16 = jnp.zeros((L,), jnp.float32)
    ones16 = jnp.ones((L,), jnp.float32)

    cp_s = pltpu.async_copy(src_hbm.at[pl.ds(ebase, EPW)], src_v, sem_s)
    cp_d = pltpu.async_copy(dst_hbm.at[pl.ds(ebase, EPW)], dst_v, sem_d)

    iota16 = lax.iota(jnp.int32, L)

    @plsc.parallel_loop(0, NPAD // L, unroll=8)
    def _(i):
        tbl_v[pl.ds(i * L, L)] = zeros16
        iota_v[pl.ds(i * L, L)] = i * L + iota16

    @plsc.parallel_loop(0, CHUNK // L, unroll=8)
    def _(j):
        chunk_v[pl.ds(j * L, L)] = zeros16
    pltpu.sync_copy(chunk_v, acc_deg.at[pl.ds(nbase, CHUNK)])
    pltpu.sync_copy(chunk_v, acc_s.at[pl.ds(nbase, CHUNK)])
    pltpu.sync_copy(chunk_v, acc_t.at[pl.ds(nbase, CHUNK)])

    cp_s.wait()

    @plsc.parallel_loop(0, EPW // L, unroll=8)
    def _(i):
        idx = src_v[pl.ds(i * L, L)]
        plsc.addupdate_scatter(tbl_v, [idx], ones16)

    plsc.subcore_barrier()
    pltpu.sync_copy(tbl_v, acc_deg.at[iota_v], add=True)
    plsc.subcore_barrier()

    pltpu.sync_copy(acc_deg.at[pl.ds(nbase, CHUNK)], chunk_v)

    @plsc.parallel_loop(0, CHUNK // L, unroll=8)
    def _(j):
        chunk_v[pl.ds(j * L, L)] = 1.0 / (chunk_v[pl.ds(j * L, L)] + 1.0)

    pltpu.sync_copy(chunk_v, acc_deg.at[pl.ds(nbase, CHUNK)])
    pltpu.sync_copy(chunk_v, score_out.at[pl.ds(nbase, CHUNK)])
    plsc.subcore_barrier()

    pltpu.sync_copy(acc_deg, tbl_v)
    cp_d.wait()

    @plsc.parallel_loop(0, EPW // L, unroll=8)
    def _(i):
        si = src_v[pl.ds(i * L, L)]
        v = plsc.load_gather(tbl_v, [si])
        ev = jnp.exp(v)
        ev_v[pl.ds(i * L, L)] = ev
        evv_v[pl.ds(i * L, L)] = ev * v

    pltpu.sync_copy(ev_v, acc_s.at[dst_v], add=True)
    pltpu.sync_copy(evv_v, acc_t.at[dst_v], add=True)
    plsc.subcore_barrier()

    pltpu.sync_copy(acc_s.at[pl.ds(nbase, CHUNK)], chunk_v)
    pltpu.sync_copy(acc_t.at[pl.ds(nbase, CHUNK)], chunk2_v)

    @plsc.parallel_loop(0, CHUNK // L, unroll=8)
    def _(j):
        chunk2_v[pl.ds(j * L, L)] = chunk2_v[pl.ds(j * L, L)] / (
            chunk_v[pl.ds(j * L, L)] + 1e-16)

    pltpu.sync_copy(chunk2_v, prop_out.at[pl.ds(nbase, CHUNK)])


_edge_call = functools.partial(
    pl.kernel,
    out_type=(jax.ShapeDtypeStruct((NPAD,), jnp.float32),
              jax.ShapeDtypeStruct((NPAD,), jnp.float32)),
    mesh=plsc.VectorSubcoreMesh(core_axis_name="c", subcore_axis_name="s",
                                num_cores=1),
    compiler_params=pltpu.CompilerParams(needs_layout_passes=False),
    scratch_types=[
        pltpu.VMEM((EPW,), jnp.int32),
        pltpu.VMEM((EPW,), jnp.int32),
        pltpu.VMEM((NPAD,), jnp.float32),
        pltpu.VMEM((NPAD,), jnp.int32),
        pltpu.VMEM((EPW,), jnp.float32),
        pltpu.VMEM((EPW,), jnp.float32),
        pltpu.VMEM((CHUNK,), jnp.float32),
        pltpu.VMEM((CHUNK,), jnp.float32),
        pltpu.VMEM_SHARED((NPAD,), jnp.float32),
        pltpu.VMEM_SHARED((NPAD,), jnp.float32),
        pltpu.VMEM_SHARED((NPAD,), jnp.float32),
        pltpu.SemaphoreType.DMA,
        pltpu.SemaphoreType.DMA,
    ],
)(_edge_body)


BN = 1000


def _dense_body(fw_ref, x_ref, w1_ref, b1_ref, w2_ref, b2_ref, g_ref,
                beta_ref, score_ref, prop_ref, o_ref):
    xb = x_ref[...]
    h = jnp.dot(xb, w1_ref[...], preferred_element_type=jnp.float32)
    h = jnp.maximum(h + b1_ref[...], 0.0)
    h = jnp.dot(h, w2_ref[...], preferred_element_type=jnp.float32)
    h = h + b2_ref[...]
    e0 = jnp.exp(fw_ref[0])
    e1 = jnp.exp(fw_ref[1])
    w0 = e0 / (e0 + e1)
    w1 = e1 / (e0 + e1)
    factor = w0 * score_ref[...] + w1 * prop_ref[...]
    y = xb + ALPHA * h * factor
    mean = jnp.mean(y, axis=-1, keepdims=True)
    var = jnp.mean((y - mean) ** 2, axis=-1, keepdims=True)
    o_ref[...] = (y - mean) / jnp.sqrt(var + 1e-5) * g_ref[...] + beta_ref[...]


def _dense_call(x, W1, b1, W2, b2, fw, g, beta, score, prop):
    return pl.pallas_call(
        _dense_body,
        grid=(N // BN,),
        in_specs=[
            pl.BlockSpec(memory_space=pltpu.SMEM),
            pl.BlockSpec((BN, D), lambda i: (i, 0)),
            pl.BlockSpec((D, H), lambda i: (0, 0)),
            pl.BlockSpec((1, H), lambda i: (0, 0)),
            pl.BlockSpec((H, D), lambda i: (0, 0)),
            pl.BlockSpec((1, D), lambda i: (0, 0)),
            pl.BlockSpec((1, D), lambda i: (0, 0)),
            pl.BlockSpec((1, D), lambda i: (0, 0)),
            pl.BlockSpec((BN, 1), lambda i: (i, 0)),
            pl.BlockSpec((BN, 1), lambda i: (i, 0)),
        ],
        out_specs=pl.BlockSpec((BN, D), lambda i: (i, 0)),
        out_shape=jax.ShapeDtypeStruct((N, D), jnp.float32),
    )(fw, x, W1, b1, W2, b2, g, beta, score, prop)


def kernel(x, edge_index, W1, b1, W2, b2, feature_weights, ln_gamma, ln_beta):
    score_p, prop_p = _edge_call(edge_index[0], edge_index[1])
    score = score_p[:N].reshape(N, 1)
    prop = prop_p[:N].reshape(N, 1)
    return _dense_call(x, W1, b1.reshape(1, H), W2, b2.reshape(1, D),
                       feature_weights, ln_gamma.reshape(1, D),
                       ln_beta.reshape(1, D), score, prop)

# --- scband reference (transcript-rebuilt; emitter-appended) ---
"""Pipeline reference for scband-michel-enhancer-87162066305744 (READ-ONLY COPY).

The authoritative reference and input builder live on the scoring server;
editing this copy changes nothing except your own understanding.
"""

import jax, jax.numpy as jnp
import numpy as np

N = 10000
E = 320000
D = 128
H = D // 2


def setup_inputs(seed: int = 0) -> dict:
    key = jax.random.key(seed)
    ks = jax.random.split(key, 10)
    x = jax.random.normal(ks[0], (N, D), dtype=jnp.float32)
    edge_index = jax.random.randint(ks[1], (2, E), 0, N, dtype=jnp.int32)
    # endpoint_net parameters: Linear(D, D//2) -> ReLU -> Linear(D//2, D)
    W1 = jax.random.normal(ks[2], (D, H), dtype=jnp.float32) / np.sqrt(D)
    b1 = jnp.zeros((H,), dtype=jnp.float32)
    W2 = jax.random.normal(ks[3], (H, D), dtype=jnp.float32) / np.sqrt(H)
    b2 = jnp.zeros((D,), dtype=jnp.float32)
    feature_weights = jnp.ones((2,), dtype=jnp.float32)
    ln_gamma = jnp.ones((D,), dtype=jnp.float32)
    ln_beta = jnp.zeros((D,), dtype=jnp.float32)
    return {"x": x, "edge_index": edge_index, "W1": W1, "b1": b1, "W2": W2,
            "b2": b2, "feature_weights": feature_weights,
            "ln_gamma": ln_gamma, "ln_beta": ln_beta}


def _segment_softmax(vals, seg, num_segments):
    m = jax.ops.segment_max(vals, seg, num_segments=num_segments)
    m = jnp.where(jnp.isfinite(m), m, 0.0)
    e = jnp.exp(vals - m[seg])
    s = jax.ops.segment_sum(e, seg, num_segments=num_segments)
    return e / (s[seg] + 1e-16)


def reference(x, edge_index, W1, b1, W2, b2, feature_weights, ln_gamma, ln_beta):
    src = edge_index[0]
    dst = edge_index[1]
    # node_degree = degree(src, N)
    deg = jax.ops.segment_sum(jnp.ones((E,), dtype=jnp.float32), src, num_segments=N)
    # endpoint_score = clamp(1/(deg+1), 0, 1)
    endpoint_score = jnp.clip(1.0 / (deg + 1.0), 0.0, 1.0)
    # edge_weight = softmax(endpoint_score[src], dst)
    edge_weight = _segment_softmax(endpoint_score[src], dst, N)
    # endpoint_propagation = scatter_sum(edge_weight * endpoint_score[src], dst)
    endpoint_propagation = jax.ops.segment_sum(edge_weight * endpoint_score[src], dst, num_segments=N)
    # weights = softmax(feature_weights)
    w = jax.nn.softmax(feature_weights, axis=0)
    endpoint_factor = w[0] * endpoint_score[:, None] + w[1] * endpoint_propagation[:, None]
    # endpoint_net MLP
    h = jax.nn.relu(x @ W1 + b1) @ W2 + b2
    enhanced = h * endpoint_factor
    alpha = 0.2
    y = x + alpha * enhanced
    # LayerNorm over last dim, eps=1e-5
    mean = jnp.mean(y, axis=-1, keepdims=True)
    var = jnp.mean((y - mean) ** 2, axis=-1, keepdims=True)
    out = (y - mean) / jnp.sqrt(var + 1e-5) * ln_gamma + ln_beta
    return out

if __name__ == "__main__":
    import jax
    _d = setup_inputs()
    print(jax.jit(kernel)(*tuple(_d.values())))

</pallas_src>

<mosaic_0001>
#map = affine_map<(d0, d1) -> (0)>
module attributes {stable_mosaic.version = 14 : i64} {
  func.func @_edge_body(%arg0: i32, %arg1: i32, %arg2: memref<320000xi32, #tpu.memory_space<hbm>>, %arg3: memref<320000xi32, #tpu.memory_space<hbm>>, %arg4: memref<10240xf32, #tpu.memory_space<hbm>>, %arg5: memref<10240xf32, #tpu.memory_space<hbm>>, %arg6: memref<20000xi32, #tpu.memory_space<vmem>>, %arg7: memref<20000xi32, #tpu.memory_space<vmem>>, %arg8: memref<10240xf32, #tpu.memory_space<vmem>>, %arg9: memref<10240xi32, #tpu.memory_space<vmem>>, %arg10: memref<20000xf32, #tpu.memory_space<vmem>>, %arg11: memref<20000xf32, #tpu.memory_space<vmem>>, %arg12: memref<640xf32, #tpu.memory_space<vmem>>, %arg13: memref<640xf32, #tpu.memory_space<vmem>>, %arg14: memref<10240xf32, #tpu.memory_space<vmem_shared>>, %arg15: memref<10240xf32, #tpu.memory_space<vmem_shared>>, %arg16: memref<10240xf32, #tpu.memory_space<vmem_shared>>, %arg17: memref<!tpu.dma_semaphore, #tpu.memory_space<semaphore_mem>>, %arg18: memref<!tpu.dma_semaphore, #tpu.memory_space<semaphore_mem>>) attributes {dimension_semantics = [#tpu.dimension_semantics<core_parallel>, #tpu.dimension_semantics<subcore_parallel>], iteration_bounds = array<i64: 1, 16>, scalar_prefetch = 0 : i64, scratch_operands = 13 : i64, tpu.core_type = #tpu.core_type<sc_vector_subcore>, window_params = [{transform_indices = #map}, {transform_indices = #map}, {transform_indices = #map}, {transform_indices = #map}]} {
    %mul3A = arith.constant 20000 : i32
    %mul3A_0 = arith.muli %arg1, %mul3A : i32
    %mul3A_1 = arith.constant 640 : i32
    %mul3A_2 = arith.muli %arg1, %mul3A_1 : i32
    %broadcast_in_dim3A = arith.constant 0.000000e+00 : f32
    %broadcast_in_dim3A_3 = vector.broadcast %broadcast_in_dim3A : f32 to vector<16xf32>
    %broadcast_in_dim3A_4 = arith.constant 1.000000e+00 : f32
    %broadcast_in_dim3A_5 = vector.broadcast %broadcast_in_dim3A_4 : f32 to vector<16xf32>
    %dma_start3A = tpu.memref_slice %arg2[%mul3A_0] : memref<320000xi32, #tpu.memory_space<hbm>> -> memref<20000xi32, #tpu.memory_space<hbm>>
    %dma_start3A_6 = tpu.memref_slice %arg2[%mul3A_0] : memref<320000xi32, #tpu.memory_space<hbm>> -> memref<20000xi32, #tpu.memory_space<hbm>>
    tpu.enqueue_dma source(%dma_start3A_6 : memref<20000xi32, #tpu.memory_space<hbm>>) target(%arg6 : memref<20000xi32, #tpu.memory_space<vmem>>) target_semaphore(%arg17 : memref<!tpu.dma_semaphore, #tpu.memory_space<semaphore_mem>>)
    %dma_start3A_7 = tpu.memref_slice %arg3[%mul3A_0] : memref<320000xi32, #tpu.memory_space<hbm>> -> memref<20000xi32, #tpu.memory_space<hbm>>
    %dma_start3A_8 = tpu.memref_slice %arg3[%mul3A_0] : memref<320000xi32, #tpu.memory_space<hbm>> -> memref<20000xi32, #tpu.memory_space<hbm>>
    tpu.enqueue_dma source(%dma_start3A_8 : memref<20000xi32, #tpu.memory_space<hbm>>) target(%arg7 : memref<20000xi32, #tpu.memory_space<vmem>>) target_semaphore(%arg18 : memref<!tpu.dma_semaphore, #tpu.memory_space<semaphore_mem>>)
    %iota3A = tpu.iota {dimensions = array<i32: 0>} : vector<16xi32>
    %parallel_loop3A = arith.constant 0 : i32
    %parallel_loop3A_9 = arith.constant 640 : i32
    %parallel_loop3A_10 = arith.constant 1 : i32
    scf.for %parallel_loop3A_32 = %parallel_loop3A to %parallel_loop3A_9 step %parallel_loop3A_10  : i32 {
      %parallel_loop3A_33 = arith.constant 16 : i32
      %parallel_loop3A_34 = arith.muli %parallel_loop3A_32, %parallel_loop3A_33 : i32
      %parallel_loop3A_35 = arith.index_cast %parallel_loop3A_34 : i32 to index
      %parallel_loop3A_36 = tpu.vector_load %arg8[%parallel_loop3A_35] {strides = array<i32>} : memref<10240xf32, #tpu.memory_space<vmem>>, vector<16xf32>,
      tpu.vector_store %arg8[%parallel_loop3A_35], %broadcast_in_dim3A_3 {strides = array<i32>} : memref<10240xf32, #tpu.memory_space<vmem>>, vector<16xf32>,
      %parallel_loop3A_37 = arith.constant 16 : i32
      %parallel_loop3A_38 = arith.muli %parallel_loop3A_32, %parallel_loop3A_37 : i32
      %parallel_loop3A_39 = vector.broadcast %parallel_loop3A_38 : i32 to vector<16xi32>
      %parallel_loop3A_40 = arith.addi %parallel_loop3A_39, %iota3A : vector<16xi32>
      %parallel_loop3A_41 = arith.constant 16 : i32
      %parallel_loop3A_42 = arith.muli %parallel_loop3A_32, %parallel_loop3A_41 : i32
      %parallel_loop3A_43 = arith.index_cast %parallel_loop3A_42 : i32 to index
      %parallel_loop3A_44 = tpu.vector_load %arg9[%parallel_loop3A_43] {strides = array<i32>} : memref<10240xi32, #tpu.memory_space<vmem>>, vector<16xi32>,
      tpu.vector_store %arg9[%parallel_loop3A_43], %parallel_loop3A_40 {strides = array<i32>} : memref<10240xi32, #tpu.memory_space<vmem>>, vector<16xi32>,
    } {sc.loop_unroll_factor = 8 : i64, sc.parallel_access}
    %parallel_loop3A_11 = arith.constant 0 : i32
    %parallel_loop3A_12 = arith.constant 40 : i32
    %parallel_loop3A_13 = arith.constant 1 : i32
    scf.for %parallel_loop3A_32 = %parallel_loop3A_11 to %parallel_loop3A_12 step %parallel_loop3A_13  : i32 {
      %parallel_loop3A_33 = arith.constant 16 : i32
      %parallel_loop3A_34 = arith.muli %parallel_loop3A_32, %parallel_loop3A_33 : i32
      %parallel_loop3A_35 = arith.index_cast %parallel_loop3A_34 : i32 to index
      %parallel_loop3A_36 = tpu.vector_load %arg12[%parallel_loop3A_35] {strides = array<i32>} : memref<640xf32, #tpu.memory_space<vmem>>, vector<16xf32>,
      tpu.vector_store %arg12[%parallel_loop3A_35], %broadcast_in_dim3A_3 {strides = array<i32>} : memref<640xf32, #tpu.memory_space<vmem>>, vector<16xf32>,
    } {sc.loop_unroll_factor = 8 : i64, sc.parallel_access}
    "tpu.region"() ({
      %run_scoped3A = tpu.sem_alloc : memref<!tpu.dma_semaphore, #tpu.memory_space<semaphore_mem>>
      %dma_start3A_32 = tpu.memref_slice %arg14[%mul3A_2] : memref<10240xf32, #tpu.memory_space<vmem_shared>> -> memref<640xf32, #tpu.memory_space<vmem_shared>>
      %dma_start3A_33 = tpu.memref_slice %arg14[%mul3A_2] : memref<10240xf32, #tpu.memory_space<vmem_shared>> -> memref<640xf32, #tpu.memory_space<vmem_shared>>
      tpu.enqueue_dma source(%arg12 : memref<640xf32, #tpu.memory_space<vmem>>) target(%dma_start3A_33 : memref<640xf32, #tpu.memory_space<vmem_shared>>) target_semaphore(%run_scoped3A : memref<!tpu.dma_semaphore, #tpu.memory_space<semaphore_mem>>)
      %dma_wait3A_34 = tpu.memref_slice %arg14[%mul3A_2] : memref<10240xf32, #tpu.memory_space<vmem_shared>> -> memref<640xf32, #tpu.memory_space<vmem_shared>>
      %dma_wait3A_35 = tpu.memref_slice %arg14[%mul3A_2] : memref<10240xf32, #tpu.memory_space<vmem_shared>> -> memref<640xf32, #tpu.memory_space<vmem_shared>>
      tpu.wait_dma2 semaphore(%run_scoped3A : memref<!tpu.dma_semaphore, #tpu.memory_space<semaphore_mem>>) src(%arg12 : memref<640xf32, #tpu.memory_space<vmem>>) dst(%dma_wait3A_35 : memref<640xf32, #tpu.memory_space<vmem_shared>>)
      tpu.yield
    }) : () -> ()
    "tpu.region"() ({
      %run_scoped3A = tpu.sem_alloc : memref<!tpu.dma_semaphore, #tpu.memory_space<semaphore_mem>>
      %dma_start3A_32 = tpu.memref_slice %arg15[%mul3A_2] : memref<10240xf32, #tpu.memory_space<vmem_shared>> -> memref<640xf32, #tpu.memory_space<vmem_shared>>
      %dma_start3A_33 = tpu.memref_slice %arg15[%mul3A_2] : memref<10240xf32, #tpu.memory_space<vmem_shared>> -> memref<640xf32, #tpu.memory_space<vmem_shared>>
      tpu.enqueue_dma source(%arg12 : memref<640xf32, #tpu.memory_space<vmem>>) target(%dma_start3A_33 : memref<640xf32, #tpu.memory_space<vmem_shared>>) target_semaphore(%run_scoped3A : memref<!tpu.dma_semaphore, #tpu.memory_space<semaphore_mem>>)
      %dma_wait3A_34 = tpu.memref_slice %arg15[%mul3A_2] : memref<10240xf32, #tpu.memory_space<vmem_shared>> -> memref<640xf32, #tpu.memory_space<vmem_shared>>
      %dma_wait3A_35 = tpu.memref_slice %arg15[%mul3A_2] : memref<10240xf32, #tpu.memory_space<vmem_shared>> -> memref<640xf32, #tpu.memory_space<vmem_shared>>
      tpu.wait_dma2 semaphore(%run_scoped3A : memref<!tpu.dma_semaphore, #tpu.memory_space<semaphore_mem>>) src(%arg12 : memref<640xf32, #tpu.memory_space<vmem>>) dst(%dma_wait3A_35 : memref<640xf32, #tpu.memory_space<vmem_shared>>)
      tpu.yield
    }) : () -> ()
    "tpu.region"() ({
      %run_scoped3A = tpu.sem_alloc : memref<!tpu.dma_semaphore, #tpu.memory_space<semaphore_mem>>
      %dma_start3A_32 = tpu.memref_slice %arg16[%mul3A_2] : memref<10240xf32, #tpu.memory_space<vmem_shared>> -> memref<640xf32, #tpu.memory_space<vmem_shared>>
      %dma_start3A_33 = tpu.memref_slice %arg16[%mul3A_2] : memref<10240xf32, #tpu.memory_space<vmem_shared>> -> memref<640xf32, #tpu.memory_space<vmem_shared>>
      tpu.enqueue_dma source(%arg12 : memref<640xf32, #tpu.memory_space<vmem>>) target(%dma_start3A_33 : memref<640xf32, #tpu.memory_space<vmem_shared>>) target_semaphore(%run_scoped3A : memref<!tpu.dma_semaphore, #tpu.memory_space<semaphore_mem>>)
      %dma_wait3A_34 = tpu.memref_slice %arg16[%mul3A_2] : memref<10240xf32, #tpu.memory_space<vmem_shared>> -> memref<640xf32, #tpu.memory_space<vmem_shared>>
      %dma_wait3A_35 = tpu.memref_slice %arg16[%mul3A_2] : memref<10240xf32, #tpu.memory_space<vmem_shared>> -> memref<640xf32, #tpu.memory_space<vmem_shared>>
      tpu.wait_dma2 semaphore(%run_scoped3A : memref<!tpu.dma_semaphore, #tpu.memory_space<semaphore_mem>>) src(%arg12 : memref<640xf32, #tpu.memory_space<vmem>>) dst(%dma_wait3A_35 : memref<640xf32, #tpu.memory_space<vmem_shared>>)
      tpu.yield
    }) : () -> ()
    %dma_wait3A = tpu.memref_slice %arg2[%mul3A_0] : memref<320000xi32, #tpu.memory_space<hbm>> -> memref<20000xi32, #tpu.memory_space<hbm>>
    %dma_wait3A_14 = tpu.memref_slice %arg2[%mul3A_0] : memref<320000xi32, #tpu.memory_space<hbm>> -> memref<20000xi32, #tpu.memory_space<hbm>>
    tpu.wait_dma2 semaphore(%arg17 : memref<!tpu.dma_semaphore, #tpu.memory_space<semaphore_mem>>) src(%dma_wait3A_14 : memref<20000xi32, #tpu.memory_space<hbm>>) dst(%arg6 : memref<20000xi32, #tpu.memory_space<vmem>>)
    %parallel_loop3A_15 = arith.constant 0 : i32
    %parallel_loop3A_16 = arith.constant 1250 : i32
    %parallel_loop3A_17 = arith.constant 1 : i32
    scf.for %parallel_loop3A_32 = %parallel_loop3A_15 to %parallel_loop3A_16 step %parallel_loop3A_17  : i32 {
      %parallel_loop3A_33 = arith.constant 16 : i32
      %parallel_loop3A_34 = arith.muli %parallel_loop3A_32, %parallel_loop3A_33 : i32
      %parallel_loop3A_35 = arith.index_cast %parallel_loop3A_34 : i32 to index
      %parallel_loop3A_36 = tpu.vector_load %arg6[%parallel_loop3A_35] {strides = array<i32>} : memref<20000xi32, #tpu.memory_space<vmem>>, vector<16xi32>,
      tpu.vector_store_idx %arg8[%parallel_loop3A_36], %broadcast_in_dim3A_5 {add = true} : memref<10240xf32, #tpu.memory_space<vmem>>[vector<16xi32>], vector<16xf32>,
    } {sc.loop_unroll_factor = 8 : i64, sc.parallel_access}
    %barrier3A = arith.constant 0 : index
    tpu.barrier barrier_id(%barrier3A)
    "tpu.region"() ({
      %run_scoped3A = tpu.sem_alloc : memref<!tpu.dma_semaphore, #tpu.memory_space<semaphore_mem>>
      %dma_start3A_32 = arith.constant 0 : i32
      %dma_start3A_33 = tpu.memref_slice %arg14[%dma_start3A_32] : memref<10240xf32, #tpu.memory_space<vmem_shared>> -> memref<10240xf32, #tpu.memory_space<vmem_shared>>
      tpu.enqueue_indirect_dma source(%arg8 : memref<10240xf32, #tpu.memory_space<vmem>>) target(%dma_start3A_33 : memref<10240xf32, #tpu.memory_space<vmem_shared>>) offsets(%arg9 : memref<10240xi32, #tpu.memory_space<vmem>>) semaphore(%run_scoped3A : memref<!tpu.dma_semaphore, #tpu.memory_space<semaphore_mem>>) {add = true}
      %dma_wait3A_34 = arith.constant 0 : i32
      %dma_wait3A_35 = tpu.memref_slice %arg14[%dma_wait3A_34] : memref<10240xf32, #tpu.memory_space<vmem_shared>> -> memref<10240xf32, #tpu.memory_space<vmem_shared>>
      tpu.wait_indirect_dma semaphore(%run_scoped3A : memref<!tpu.dma_semaphore, #tpu.memory_space<semaphore_mem>>) src(%arg8 : memref<10240xf32, #tpu.memory_space<vmem>>) dst(%dma_wait3A_35 : memref<10240xf32, #tpu.memory_space<vmem_shared>>)
      tpu.yield
    }) : () -> ()
    %barrier3A_18 = arith.constant 0 : index
    tpu.barrier barrier_id(%barrier3A_18)
    "tpu.region"() ({
      %run_scoped3A = tpu.sem_alloc : memref<!tpu.dma_semaphore, #tpu.memory_space<semaphore_mem>>
      %dma_start3A_32 = tpu.memref_slice %arg14[%mul3A_2] : memref<10240xf32, #tpu.memory_space<vmem_shared>> -> memref<640xf32, #tpu.memory_space<vmem_shared>>
      %dma_start3A_33 = tpu.memref_slice %arg14[%mul3A_2] : memref<10240xf32, #tpu.memory_space<vmem_shared>> -> memref<640xf32, #tpu.memory_space<vmem_shared>>
      tpu.enqueue_dma source(%dma_start3A_33 : memref<640xf32, #tpu.memory_space<vmem_shared>>) target(%arg12 : memref<640xf32, #tpu.memory_space<vmem>>) target_semaphore(%run_scoped3A : memref<!tpu.dma_semaphore, #tpu.memory_space<semaphore_mem>>)
      %dma_wait3A_34 = tpu.memref_slice %arg14[%mul3A_2] : memref<10240xf32, #tpu.memory_space<vmem_shared>> -> memref<640xf32, #tpu.memory_space<vmem_shared>>
      %dma_wait3A_35 = tpu.memref_slice %arg14[%mul3A_2] : memref<10240xf32, #tpu.memory_space<vmem_shared>> -> memref<640xf32, #tpu.memory_space<vmem_shared>>
      tpu.wait_dma2 semaphore(%run_scoped3A : memref<!tpu.dma_semaphore, #tpu.memory_space<semaphore_mem>>) src(%dma_wait3A_35 : memref<640xf32, #tpu.memory_space<vmem_shared>>) dst(%arg12 : memref<640xf32, #tpu.memory_space<vmem>>)
      tpu.yield
    }) : () -> ()
    %parallel_loop3A_19 = arith.constant 0 : i32
    %parallel_loop3A_20 = arith.constant 40 : i32
    %parallel_loop3A_21 = arith.constant 1 : i32
    scf.for %parallel_loop3A_32 = %parallel_loop3A_19 to %parallel_loop3A_20 step %parallel_loop3A_21  : i32 {
      %parallel_loop3A_33 = arith.constant 16 : i32
      %parallel_loop3A_34 = arith.muli %parallel_loop3A_32, %parallel_loop3A_33 : i32
      %parallel_loop3A_35 = arith.index_cast %parallel_loop3A_34 : i32 to index
      %parallel_loop3A_36 = tpu.vector_load %arg12[%parallel_loop3A_35] {strides = array<i32>} : memref<640xf32, #tpu.memory_space<vmem>>, vector<16xf32>,
      %parallel_loop3A_37 = arith.constant 1.000000e+00 : f32
      %parallel_loop3A_38 = vector.broadcast %parallel_loop3A_37 : f32 to vector<16xf32>
      %parallel_loop3A_39 = arith.addf %parallel_loop3A_36, %parallel_loop3A_38 : vector<16xf32>
      %parallel_loop3A_40 = arith.constant 1.000000e+00 : f32
      %parallel_loop3A_41 = vector.broadcast %parallel_loop3A_40 : f32 to vector<16xf32>
      %parallel_loop3A_42 = arith.divf %parallel_loop3A_41, %parallel_loop3A_39 : vector<16xf32>
      %parallel_loop3A_43 = arith.constant 16 : i32
      %parallel_loop3A_44 = arith.muli %parallel_loop3A_32, %parallel_loop3A_43 : i32
      %parallel_loop3A_45 = arith.index_cast %parallel_loop3A_44 : i32 to index
      %parallel_loop3A_46 = tpu.vector_load %arg12[%parallel_loop3A_45] {strides = array<i32>} : memref<640xf32, #tpu.memory_space<vmem>>, vector<16xf32>,
      tpu.vector_store %arg12[%parallel_loop3A_45], %parallel_loop3A_42 {strides = array<i32>} : memref<640xf32, #tpu.memory_space<vmem>>, vector<16xf32>,
    } {sc.loop_unroll_factor = 8 : i64, sc.parallel_access}
    "tpu.region"() ({
      %run_scoped3A = tpu.sem_alloc : memref<!tpu.dma_semaphore, #tpu.memory_space<semaphore_mem>>
      %dma_start3A_32 = tpu.memref_slice %arg14[%mul3A_2] : memref<10240xf32, #tpu.memory_space<vmem_shared>> -> memref<640xf32, #tpu.memory_space<vmem_shared>>
      %dma_start3A_33 = tpu.memref_slice %arg14[%mul3A_2] : memref<10240xf32, #tpu.memory_space<vmem_shared>> -> memref<640xf32, #tpu.memory_space<vmem_shared>>
      tpu.enqueue_dma source(%arg12 : memref<640xf32, #tpu.memory_space<vmem>>) target(%dma_start3A_33 : memref<640xf32, #tpu.memory_space<vmem_shared>>) target_semaphore(%run_scoped3A : memref<!tpu.dma_semaphore, #tpu.memory_space<semaphore_mem>>)
      %dma_wait3A_34 = tpu.memref_slice %arg14[%mul3A_2] : memref<10240xf32, #tpu.memory_space<vmem_shared>> -> memref<640xf32, #tpu.memory_space<vmem_shared>>
      %dma_wait3A_35 = tpu.memref_slice %arg14[%mul3A_2] : memref<10240xf32, #tpu.memory_space<vmem_shared>> -> memref<640xf32, #tpu.memory_space<vmem_shared>>
      tpu.wait_dma2 semaphore(%run_scoped3A : memref<!tpu.dma_semaphore, #tpu.memory_space<semaphore_mem>>) src(%arg12 : memref<640xf32, #tpu.memory_space<vmem>>) dst(%dma_wait3A_35 : memref<640xf32, #tpu.memory_space<vmem_shared>>)
      tpu.yield
    }) : () -> ()
    "tpu.region"() ({
      %run_scoped3A = tpu.sem_alloc : memref<!tpu.dma_semaphore, #tpu.memory_space<semaphore_mem>>
      %dma_start3A_32 = tpu.memref_slice %arg4[%mul3A_2] : memref<10240xf32, #tpu.memory_space<hbm>> -> memref<640xf32, #tpu.memory_space<hbm>>
      %dma_start3A_33 = tpu.memref_slice %arg4[%mul3A_2] : memref<10240xf32, #tpu.memory_space<hbm>> -> memref<640xf32, #tpu.memory_space<hbm>>
      tpu.enqueue_dma source(%arg12 : memref<640xf32, #tpu.memory_space<vmem>>) target(%dma_start3A_33 : memref<640xf32, #tpu.memory_space<hbm>>) target_semaphore(%run_scoped3A : memref<!tpu.dma_semaphore, #tpu.memory_space<semaphore_mem>>)
      %dma_wait3A_34 = tpu.memref_slice %arg4[%mul3A_2] : memref<10240xf32, #tpu.memory_space<hbm>> -> memref<640xf32, #tpu.memory_space<hbm>>
      %dma_wait3A_35 = tpu.memref_slice %arg4[%mul3A_2] : memref<10240xf32, #tpu.memory_space<hbm>> -> memref<640xf32, #tpu.memory_space<hbm>>
      tpu.wait_dma2 semaphore(%run_scoped3A : memref<!tpu.dma_semaphore, #tpu.memory_space<semaphore_mem>>) src(%arg12 : memref<640xf32, #tpu.memory_space<vmem>>) dst(%dma_wait3A_35 : memref<640xf32, #tpu.memory_space<hbm>>)
      tpu.yield
    }) : () -> ()
    %barrier3A_22 = arith.constant 0 : index
    tpu.barrier barrier_id(%barrier3A_22)
    "tpu.region"() ({
      %run_scoped3A = tpu.sem_alloc : memref<!tpu.dma_semaphore, #tpu.memory_space<semaphore_mem>>
      tpu.enqueue_dma source(%arg14 : memref<10240xf32, #tpu.memory_space<vmem_shared>>) target(%arg8 : memref<10240xf32, #tpu.memory_space<vmem>>) target_semaphore(%run_scoped3A : memref<!tpu.dma_semaphore, #tpu.memory_space<semaphore_mem>>)
      tpu.wait_dma2 semaphore(%run_scoped3A : memref<!tpu.dma_semaphore, #tpu.memory_space<semaphore_mem>>) src(%arg14 : memref<10240xf32, #tpu.memory_space<vmem_shared>>) dst(%arg8 : memref<10240xf32, #tpu.memory_space<vmem>>)
      tpu.yield
    }) : () -> ()
    %dma_wait3A_23 = tpu.memref_slice %arg3[%mul3A_0] : memref<320000xi32, #tpu.memory_space<hbm>> -> memref<20000xi32, #tpu.memory_space<hbm>>
    %dma_wait3A_24 = tpu.memref_slice %arg3[%mul3A_0] : memref<320000xi32, #tpu.memory_space<hbm>> -> memref<20000xi32, #tpu.memory_space<hbm>>
    tpu.wait_dma2 semaphore(%arg18 : memref<!tpu.dma_semaphore, #tpu.memory_space<semaphore_mem>>) src(%dma_wait3A_24 : memref<20000xi32, #tpu.memory_space<hbm>>) dst(%arg7 : memref<20000xi32, #tpu.memory_space<vmem>>)
    %parallel_loop3A_25 = arith.constant 0 : i32
    %parallel_loop3A_26 = arith.constant 1250 : i32
    %parallel_loop3A_27 = arith.constant 1 : i32
    scf.for %parallel_loop3A_32 = %parallel_loop3A_25 to %parallel_loop3A_26 step %parallel_loop3A_27  : i32 {
      %parallel_loop3A_33 = arith.constant 16 : i32
      %parallel_loop3A_34 = arith.muli %parallel_loop3A_32, %parallel_loop3A_33 : i32
      %parallel_loop3A_35 = arith.index_cast %parallel_loop3A_34 : i32 to index
      %parallel_loop3A_36 = tpu.vector_load %arg6[%parallel_loop3A_35] {strides = array<i32>} : memref<20000xi32, #tpu.memory_space<vmem>>, vector<16xi32>,
      %parallel_loop3A_37 = tpu.vector_load_idx %arg8[%parallel_loop3A_36] : memref<10240xf32, #tpu.memory_space<vmem>>[vector<16xi32>], vector<16xf32>,
      %parallel_loop3A_38 = math.exp %parallel_loop3A_37 : vector<16xf32>
      %parallel_loop3A_39 = arith.constant 16 : i32
      %parallel_loop3A_40 = arith.muli %parallel_loop3A_32, %parallel_loop3A_39 : i32
      %parallel_loop3A_41 = arith.index_cast %parallel_loop3A_40 : i32 to index
      %parallel_loop3A_42 = tpu.vector_load %arg10[%parallel_loop3A_41] {strides = array<i32>} : memref<20000xf32, #tpu.memory_space<vmem>>, vector<16xf32>,
      tpu.vector_store %arg10[%parallel_loop3A_41], %parallel_loop3A_38 {strides = array<i32>} : memref<20000xf32, #tpu.memory_space<vmem>>, vector<16xf32>,
      %parallel_loop3A_43 = arith.mulf %parallel_loop3A_38, %parallel_loop3A_37 : vector<16xf32>
      %parallel_loop3A_44 = arith.constant 16 : i32
      %parallel_loop3A_45 = arith.muli %parallel_loop3A_32, %parallel_loop3A_44 : i32
      %parallel_loop3A_46 = arith.index_cast %parallel_loop3A_45 : i32 to index
      %parallel_loop3A_47 = tpu.vector_load %arg11[%parallel_loop3A_46] {strides = array<i32>} : memref<20000xf32, #tpu.memory_space<vmem>>, vector<16xf32>,
      tpu.vector_store %arg11[%parallel_loop3A_46], %parallel_loop3A_43 {strides = array<i32>} : memref<20000xf32, #tpu.memory_space<vmem>>, vector<16xf32>,
    } {sc.loop_unroll_factor = 8 : i64, sc.parallel_access}
    "tpu.region"() ({
      %run_scoped3A = tpu.sem_alloc : memref<!tpu.dma_semaphore, #tpu.memory_space<semaphore_mem>>
      %dma_start3A_32 = arith.constant 0 : i32
      %dma_start3A_33 = tpu.memref_slice %arg15[%dma_start3A_32] : memref<10240xf32, #tpu.memory_space<vmem_shared>> -> memref<10240xf32, #tpu.memory_space<vmem_shared>>
      tpu.enqueue_indirect_dma source(%arg10 : memref<20000xf32, #tpu.memory_space<vmem>>) target(%dma_start3A_33 : memref<10240xf32, #tpu.memory_space<vmem_shared>>) offsets(%arg7 : memref<20000xi32, #tpu.memory_space<vmem>>) semaphore(%run_scoped3A : memref<!tpu.dma_semaphore, #tpu.memory_space<semaphore_mem>>) {add = true}
      %dma_wait3A_34 = arith.constant 0 : i32
      %dma_wait3A_35 = tpu.memref_slice %arg15[%dma_wait3A_34] : memref<10240xf32, #tpu.memory_space<vmem_shared>> -> memref<10240xf32, #tpu.memory_space<vmem_shared>>
      tpu.wait_indirect_dma semaphore(%run_scoped3A : memref<!tpu.dma_semaphore, #tpu.memory_space<semaphore_mem>>) src(%arg10 : memref<20000xf32, #tpu.memory_space<vmem>>) dst(%dma_wait3A_35 : memref<10240xf32, #tpu.memory_space<vmem_shared>>)
      tpu.yield
    }) : () -> ()
    "tpu.region"() ({
      %run_scoped3A = tpu.sem_alloc : memref<!tpu.dma_semaphore, #tpu.memory_space<semaphore_mem>>
      %dma_start3A_32 = arith.constant 0 : i32
      %dma_start3A_33 = tpu.memref_slice %arg16[%dma_start3A_32] : memref<10240xf32, #tpu.memory_space<vmem_shared>> -> memref<10240xf32, #tpu.memory_space<vmem_shared>>
      tpu.enqueue_indirect_dma source(%arg11 : memref<20000xf32, #tpu.memory_space<vmem>>) target(%dma_start3A_33 : memref<10240xf32, #tpu.memory_space<vmem_shared>>) offsets(%arg7 : memref<20000xi32, #tpu.memory_space<vmem>>) semaphore(%run_scoped3A : memref<!tpu.dma_semaphore, #tpu.memory_space<semaphore_mem>>) {add = true}
      %dma_wait3A_34 = arith.constant 0 : i32
      %dma_wait3A_35 = tpu.memref_slice %arg16[%dma_wait3A_34] : memref<10240xf32, #tpu.memory_space<vmem_shared>> -> memref<10240xf32, #tpu.memory_space<vmem_shared>>
      tpu.wait_indirect_dma semaphore(%run_scoped3A : memref<!tpu.dma_semaphore, #tpu.memory_space<semaphore_mem>>) src(%arg11 : memref<20000xf32, #tpu.memory_space<vmem>>) dst(%dma_wait3A_35 : memref<10240xf32, #tpu.memory_space<vmem_shared>>)
      tpu.yield
    }) : () -> ()
    %barrier3A_28 = arith.constant 0 : index
    tpu.barrier barrier_id(%barrier3A_28)
    "tpu.region"() ({
      %run_scoped3A = tpu.sem_alloc : memref<!tpu.dma_semaphore, #tpu.memory_space<semaphore_mem>>
      %dma_start3A_32 = tpu.memref_slice %arg15[%mul3A_2] : memref<10240xf32, #tpu.memory_space<vmem_shared>> -> memref<640xf32, #tpu.memory_space<vmem_shared>>
      %dma_start3A_33 = tpu.memref_slice %arg15[%mul3A_2] : memref<10240xf32, #tpu.memory_space<vmem_shared>> -> memref<640xf32, #tpu.memory_space<vmem_shared>>
      tpu.enqueue_dma source(%dma_start3A_33 : memref<640xf32, #tpu.memory_space<vmem_shared>>) target(%arg12 : memref<640xf32, #tpu.memory_space<vmem>>) target_semaphore(%run_scoped3A : memref<!tpu.dma_semaphore, #tpu.memory_space<semaphore_mem>>)
      %dma_wait3A_34 = tpu.memref_slice %arg15[%mul3A_2] : memref<10240xf32, #tpu.memory_space<vmem_shared>> -> memref<640xf32, #tpu.memory_space<vmem_shared>>
      %dma_wait3A_35 = tpu.memref_slice %arg15[%mul3A_2] : memref<10240xf32, #tpu.memory_space<vmem_shared>> -> memref<640xf32, #tpu.memory_space<vmem_shared>>
      tpu.wait_dma2 semaphore(%run_scoped3A : memref<!tpu.dma_semaphore, #tpu.memory_space<semaphore_mem>>) src(%dma_wait3A_35 : memref<640xf32, #tpu.memory_space<vmem_shared>>) dst(%arg12 : memref<640xf32, #tpu.memory_space<vmem>>)
      tpu.yield
    }) : () -> ()
    "tpu.region"() ({
      %run_scoped3A = tpu.sem_alloc : memref<!tpu.dma_semaphore, #tpu.memory_space<semaphore_mem>>
      %dma_start3A_32 = tpu.memref_slice %arg16[%mul3A_2] : memref<10240xf32, #tpu.memory_space<vmem_shared>> -> memref<640xf32, #tpu.memory_space<vmem_shared>>
      %dma_start3A_33 = tpu.memref_slice %arg16[%mul3A_2] : memref<10240xf32, #tpu.memory_space<vmem_shared>> -> memref<640xf32, #tpu.memory_space<vmem_shared>>
      tpu.enqueue_dma source(%dma_start3A_33 : memref<640xf32, #tpu.memory_space<vmem_shared>>) target(%arg13 : memref<640xf32, #tpu.memory_space<vmem>>) target_semaphore(%run_scoped3A : memref<!tpu.dma_semaphore, #tpu.memory_space<semaphore_mem>>)
      %dma_wait3A_34 = tpu.memref_slice %arg16[%mul3A_2] : memref<10240xf32, #tpu.memory_space<vmem_shared>> -> memref<640xf32, #tpu.memory_space<vmem_shared>>
      %dma_wait3A_35 = tpu.memref_slice %arg16[%mul3A_2] : memref<10240xf32, #tpu.memory_space<vmem_shared>> -> memref<640xf32, #tpu.memory_space<vmem_shared>>
      tpu.wait_dma2 semaphore(%run_scoped3A : memref<!tpu.dma_semaphore, #tpu.memory_space<semaphore_mem>>) src(%dma_wait3A_35 : memref<640xf32, #tpu.memory_space<vmem_shared>>) dst(%arg13 : memref<640xf32, #tpu.memory_space<vmem>>)
      tpu.yield
    }) : () -> ()
    %parallel_loop3A_29 = arith.constant 0 : i32
    %parallel_loop3A_30 = arith.constant 40 : i32
    %parallel_loop3A_31 = arith.constant 1 : i32
    scf.for %parallel_loop3A_32 = %parallel_loop3A_29 to %parallel_loop3A_30 step %parallel_loop3A_31  : i32 {
      %parallel_loop3A_33 = arith.constant 16 : i32
      %parallel_loop3A_34 = arith.muli %parallel_loop3A_32, %parallel_loop3A_33 : i32
      %parallel_loop3A_35 = arith.index_cast %parallel_loop3A_34 : i32 to index
      %parallel_loop3A_36 = tpu.vector_load %arg13[%parallel_loop3A_35] {strides = array<i32>} : memref<640xf32, #tpu.memory_space<vmem>>, vector<16xf32>,
      %parallel_loop3A_37 = arith.constant 16 : i32
      %parallel_loop3A_38 = arith.muli %parallel_loop3A_32, %parallel_loop3A_37 : i32
      %parallel_loop3A_39 = arith.index_cast %parallel_loop3A_38 : i32 to index
      %parallel_loop3A_40 = tpu.vector_load %arg12[%parallel_loop3A_39] {strides = array<i32>} : memref<640xf32, #tpu.memory_space<vmem>>, vector<16xf32>,
      %parallel_loop3A_41 = arith.constant 1.000000e-16 : f32
      %parallel_loop3A_42 = vector.broadcast %parallel_loop3A_41 : f32 to vector<16xf32>
      %parallel_loop3A_43 = arith.addf %parallel_loop3A_40, %parallel_loop3A_42 : vector<16xf32>
      %parallel_loop3A_44 = arith.divf %parallel_loop3A_36, %parallel_loop3A_43 : vector<16xf32>
      %parallel_loop3A_45 = arith.constant 16 : i32
      %parallel_loop3A_46 = arith.muli %parallel_loop3A_32, %parallel_loop3A_45 : i32
      %parallel_loop3A_47 = arith.index_cast %parallel_loop3A_46 : i32 to index
      %parallel_loop3A_48 = tpu.vector_load %arg13[%parallel_loop3A_47] {strides = array<i32>} : memref<640xf32, #tpu.memory_space<vmem>>, vector<16xf32>,
      tpu.vector_store %arg13[%parallel_loop3A_47], %parallel_loop3A_44 {strides = array<i32>} : memref<640xf32, #tpu.memory_space<vmem>>, vector<16xf32>,
    } {sc.loop_unroll_factor = 8 : i64, sc.parallel_access}
    "tpu.region"() ({
      %run_scoped3A = tpu.sem_alloc : memref<!tpu.dma_semaphore, #tpu.memory_space<semaphore_mem>>
      %dma_start3A_32 = tpu.memref_slice %arg5[%mul3A_2] : memref<10240xf32, #tpu.memory_space<hbm>> -> memref<640xf32, #tpu.memory_space<hbm>>
      %dma_start3A_33 = tpu.memref_slice %arg5[%mul3A_2] : memref<10240xf32, #tpu.memory_space<hbm>> -> memref<640xf32, #tpu.memory_space<hbm>>
      tpu.enqueue_dma source(%arg13 : memref<640xf32, #tpu.memory_space<vmem>>) target(%dma_start3A_33 : memref<640xf32, #tpu.memory_space<hbm>>) target_semaphore(%run_scoped3A : memref<!tpu.dma_semaphore, #tpu.memory_space<semaphore_mem>>)
      %dma_wait3A_34 = tpu.memref_slice %arg5[%mul3A_2] : memref<10240xf32, #tpu.memory_space<hbm>> -> memref<640xf32, #tpu.memory_space<hbm>>
      %dma_wait3A_35 = tpu.memref_slice %arg5[%mul3A_2] : memref<10240xf32, #tpu.memory_space<hbm>> -> memref<640xf32, #tpu.memory_space<hbm>>
      tpu.wait_dma2 semaphore(%run_scoped3A : memref<!tpu.dma_semaphore, #tpu.memory_space<semaphore_mem>>) src(%arg13 : memref<640xf32, #tpu.memory_space<vmem>>) dst(%dma_wait3A_35 : memref<640xf32, #tpu.memory_space<hbm>>)
      tpu.yield
    }) : () -> ()
    return
  }
}

module attributes {stable_mosaic.version = 14 : i64} {
  func.func @_dense_body(%arg0: i32, %arg1: memref<2xf32, #tpu.memory_space<smem>>, %arg2: memref<1000x128xf32, #tpu.memory_space<vmem>>, %arg3: memref<128x64xf32, #tpu.memory_space<vmem>>, %arg4: memref<1x64xf32, #tpu.memory_space<vmem>>, %arg5: memref<64x128xf32, #tpu.memory_space<vmem>>, %arg6: memref<1x128xf32, #tpu.memory_space<vmem>>, %arg7: memref<1x128xf32, #tpu.memory_space<vmem>>, %arg8: memref<1x128xf32, #tpu.memory_space<vmem>>, %arg9: memref<1000x1xf32, #tpu.memory_space<vmem>>, %arg10: memref<1000x1xf32, #tpu.memory_space<vmem>>, %arg11: memref<1000x128xf32, #tpu.memory_space<vmem>>) attributes {dimension_semantics = [#tpu.dimension_semantics<arbitrary>], iteration_bounds = array<i64: 10>, scalar_prefetch = 0 : i64, scratch_operands = 0 : i64, tpu.core_type = #tpu.core_type<tc>, window_params = [{transform_indices = @transform_0, window_bounds = array<i64: 2>}, {transform_indices = @transform_1, window_bounds = array<i64: 1000, 128>}, {pipeline_mode = #tpu.pipeline_mode<synchronous>, transform_indices = @transform_2, window_bounds = array<i64: 128, 64>}, {pipeline_mode = #tpu.pipeline_mode<synchronous>, transform_indices = @transform_3, window_bounds = array<i64: 1, 64>}, {pipeline_mode = #tpu.pipeline_mode<synchronous>, transform_indices = @transform_4, window_bounds = array<i64: 64, 128>}, {pipeline_mode = #tpu.pipeline_mode<synchronous>, transform_indices = @transform_5, window_bounds = array<i64: 1, 128>}, {pipeline_mode = #tpu.pipeline_mode<synchronous>, transform_indices = @transform_6, window_bounds = array<i64: 1, 128>}, {pipeline_mode = #tpu.pipeline_mode<synchronous>, transform_indices = @transform_7, window_bounds = array<i64: 1, 128>}, {transform_indices = @transform_8, window_bounds = array<i64: 1000, 1>}, {transform_indices = @transform_9, window_bounds = array<i64: 1000, 1>}, {transform_indices = @transform_10, window_bounds = array<i64: 1000, 128>}]} {
    %get3A = arith.constant 0 : index
    %get3A_0 = arith.constant 0 : index
    %get3A_1 = vector.load %arg2[%get3A, %get3A_0] : memref<1000x128xf32, #tpu.memory_space<vmem>>, vector<1000x128xf32>
    %get3A_2 = arith.constant 0 : index
    %get3A_3 = arith.constant 0 : index
    %get3A_4 = vector.load %arg3[%get3A_2, %get3A_3] : memref<128x64xf32, #tpu.memory_space<vmem>>, vector<128x64xf32>
    %dot_general3A = arith.constant dense<0.000000e+00> : vector<1000x64xf32>
    %dot_general3A_5 = tpu.matmul %get3A_1, %get3A_4, %dot_general3A {dimension_numbers = #tpu.dot_dimension_numbers<[1], [0], [0], [1], [0, 0, 1, 1], [], []>, transpose_lhs_hint = false} : vector<1000x128xf32>, vector<128x64xf32>, vector<1000x64xf32> -> vector<1000x64xf32>
    %get3A_6 = arith.constant 0 : index
    %get3A_7 = arith.constant 0 : index
    %get3A_8 = vector.load %arg4[%get3A_6, %get3A_7] : memref<1x64xf32, #tpu.memory_space<vmem>>, vector<1x64xf32>
    %add3A = vector.broadcast %get3A_8 : vector<1x64xf32> to vector<1000x64xf32>
    %add3A_9 = arith.addf %dot_general3A_5, %add3A : vector<1000x64xf32>
    %max3A = arith.constant 0.000000e+00 : f32
    %max3A_10 = vector.broadcast %max3A : f32 to vector<1000x64xf32>
    %max3A_11 = arith.maximumf %add3A_9, %max3A_10 : vector<1000x64xf32>
    %get3A_12 = arith.constant 0 : index
    %get3A_13 = arith.constant 0 : index
    %get3A_14 = vector.load %arg5[%get3A_12, %get3A_13] : memref<64x128xf32, #tpu.memory_space<vmem>>, vector<64x128xf32>
    %dot_general3A_15 = arith.constant dense<0.000000e+00> : vector<1000x128xf32>
    %dot_general3A_16 = tpu.matmul %max3A_11, %get3A_14, %dot_general3A_15 {dimension_numbers = #tpu.dot_dimension_numbers<[1], [0], [0], [1], [0, 0, 1, 1], [], []>, transpose_lhs_hint = false} : vector<1000x64xf32>, vector<64x128xf32>, vector<1000x128xf32> -> vector<1000x128xf32>
    %get3A_17 = arith.constant 0 : index
    %get3A_18 = arith.constant 0 : index
    %get3A_19 = vector.load %arg6[%get3A_17, %get3A_18] : memref<1x128xf32, #tpu.memory_space<vmem>>, vector<1x128xf32>
    %add3A_20 = vector.broadcast %get3A_19 : vector<1x128xf32> to vector<1000x128xf32>
    %add3A_21 = arith.addf %dot_general3A_16, %add3A_20 : vector<1000x128xf32>
    %get3A_22 = arith.constant 0 : index
    %get3A_23 = memref.load %arg1[%get3A_22] : memref<2xf32, #tpu.memory_space<smem>>
    %exp3A = math.exp %get3A_23 : f32
    %get3A_24 = arith.constant 1 : index
    %get3A_25 = memref.load %arg1[%get3A_24] : memref<2xf32, #tpu.memory_space<smem>>
    %exp3A_26 = math.exp %get3A_25 : f32
    %add3A_27 = arith.addf %exp3A, %exp3A_26 : f32
    %div3A = arith.divf %exp3A, %add3A_27 : f32
    %add3A_28 = arith.addf %exp3A, %exp3A_26 : f32
    %div3A_29 = arith.divf %exp3A_26, %add3A_28 : f32
    %get3A_30 = arith.constant 0 : index
    %get3A_31 = arith.constant 0 : index
    %get3A_32 = vector.load %arg9[%get3A_30, %get3A_31] : memref<1000x1xf32, #tpu.memory_space<vmem>>, vector<1000x1xf32>
    %mul3A = vector.broadcast %div3A : f32 to vector<1000x1xf32>
    %mul3A_33 = arith.mulf %mul3A, %get3A_32 : vector<1000x1xf32>
    %get3A_34 = arith.constant 0 : index
    %get3A_35 = arith.constant 0 : index
    %get3A_36 = vector.load %arg10[%get3A_34, %get3A_35] : memref<1000x1xf32, #tpu.memory_space<vmem>>, vector<1000x1xf32>
    %mul3A_37 = vector.broadcast %div3A_29 : f32 to vector<1000x1xf32>
    %mul3A_38 = arith.mulf %mul3A_37, %get3A_36 : vector<1000x1xf32>
    %add3A_39 = arith.addf %mul3A_33, %mul3A_38 : vector<1000x1xf32>
    %mul3A_40 = arith.constant 2.000000e-01 : f32
    %mul3A_41 = vector.broadcast %mul3A_40 : f32 to vector<1000x128xf32>
    %mul3A_42 = arith.mulf %mul3A_41, %add3A_21 : vector<1000x128xf32>
    %mul3A_43 = vector.broadcast %add3A_39 : vector<1000x1xf32> to vector<1000x128xf32>
    %mul3A_44 = arith.mulf %mul3A_42, %mul3A_43 : vector<1000x128xf32>
    %add3A_45 = arith.addf %get3A_1, %mul3A_44 : vector<1000x128xf32>
    %reduce_sum3A = arith.constant dense<0.000000e+00> : vector<1000xf32>
    %reduce_sum3A_46 = vector.multi_reduction <add>, %add3A_45, %reduce_sum3A [1] : vector<1000x128xf32> to vector<1000xf32>
    %broadcast_in_dim3A = vector.shape_cast %reduce_sum3A_46 : vector<1000xf32> to vector<1000x1xf32>
    %div3A_47 = arith.constant 1.280000e+02 : f32
    %div3A_48 = vector.broadcast %div3A_47 : f32 to vector<1000x1xf32>
    %div3A_49 = arith.divf %broadcast_in_dim3A, %div3A_48 : vector<1000x1xf32>
    %sub3A = vector.broadcast %div3A_49 : vector<1000x1xf32> to vector<1000x128xf32>
    %sub3A_50 = arith.subf %add3A_45, %sub3A : vector<1000x128xf32>
    %integer_pow3A = arith.mulf %sub3A_50, %sub3A_50 : vector<1000x128xf32>
    %reduce_sum3A_51 = arith.constant dense<0.000000e+00> : vector<1000xf32>
    %reduce_sum3A_52 = vector.multi_reduction <add>, %integer_pow3A, %reduce_sum3A_51 [1] : vector<1000x128xf32> to vector<1000xf32>
    %broadcast_in_dim3A_53 = vector.shape_cast %reduce_sum3A_52 : vector<1000xf32> to vector<1000x1xf32>
    %div3A_54 = arith.constant 1.280000e+02 : f32
    %div3A_55 = vector.broadcast %div3A_54 : f32 to vector<1000x1xf32>
    %div3A_56 = arith.divf %broadcast_in_dim3A_53, %div3A_55 : vector<1000x1xf32>
    %sub3A_57 = vector.broadcast %div3A_49 : vector<1000x1xf32> to vector<1000x128xf32>
    %sub3A_58 = arith.subf %add3A_45, %sub3A_57 : vector<1000x128xf32>
    %add3A_59 = arith.constant 9.99999974E-6 : f32
    %add3A_60 = vector.broadcast %add3A_59 : f32 to vector<1000x1xf32>
    %add3A_61 = arith.addf %div3A_56, %add3A_60 : vector<1000x1xf32>
    %sqrt3A = math.sqrt %add3A_61 : vector<1000x1xf32>
    %div3A_62 = vector.broadcast %sqrt3A : vector<1000x1xf32> to vector<1000x128xf32>
    %div3A_63 = arith.divf %sub3A_58, %div3A_62 : vector<1000x128xf32>
    %get3A_64 = arith.constant 0 : index
    %get3A_65 = arith.constant 0 : index
    %get3A_66 = vector.load %arg7[%get3A_64, %get3A_65] : memref<1x128xf32, #tpu.memory_space<vmem>>, vector<1x128xf32>
    %mul3A_67 = vector.broadcast %get3A_66 : vector<1x128xf32> to vector<1000x128xf32>
    %mul3A_68 = arith.mulf %div3A_63, %mul3A_67 : vector<1000x128xf32>
    %get3A_69 = arith.constant 0 : index
    %get3A_70 = arith.constant 0 : index
    %get3A_71 = vector.load %arg8[%get3A_69, %get3A_70] : memref<1x128xf32, #tpu.memory_space<vmem>>, vector<1x128xf32>
    %add3A_72 = vector.broadcast %get3A_71 : vector<1x128xf32> to vector<1000x128xf32>
    %add3A_73 = arith.addf %mul3A_68, %add3A_72 : vector<1000x128xf32>
    %swap3A = arith.constant 0 : index
    %swap3A_74 = arith.constant 0 : index
    %swap3A_75 = vector.load %arg11[%swap3A, %swap3A_74] : memref<1000x128xf32, #tpu.memory_space<vmem>>, vector<1000x128xf32>
    tpu.vector_store %arg11[%swap3A, %swap3A_74], %add3A_73 {strides = array<i32>} : memref<1000x128xf32, #tpu.memory_space<vmem>>, vector<1000x128xf32>,
    return
  }
  func.func @transform_0(%arg0: i32) -> i32 {
    %c0_i32 = arith.constant 0 : i32
    %c0_i32_0 = arith.constant 0 : i32
    return %c0_i32 : i32
  }
  func.func @transform_1(%arg0: i32) -> (i32, i32) {
    %c0_i32 = arith.constant 0 : i32
    %c0_i32_0 = arith.constant 0 : i32
    return %arg0, %c0_i32 : i32, i32
  }
  func.func @transform_2(%arg0: i32) -> (i32, i32) {
    %c0_i32 = arith.constant 0 : i32
    %c0_i32_0 = arith.constant 0 : i32
    %c0_i32_1 = arith.constant 0 : i32
    return %c0_i32, %c0_i32_0 : i32, i32
  }
  func.func @transform_3(%arg0: i32) -> (i32, i32) {
    %c0_i32 = arith.constant 0 : i32
    %c0_i32_0 = arith.constant 0 : i32
    %c0_i32_1 = arith.constant 0 : i32
    return %c0_i32, %c0_i32_0 : i32, i32
  }
  func.func @transform_4(%arg0: i32) -> (i32, i32) {
    %c0_i32 = arith.constant 0 : i32
    %c0_i32_0 = arith.constant 0 : i32
    %c0_i32_1 = arith.constant 0 : i32
    return %c0_i32, %c0_i32_0 : i32, i32
  }
  func.func @transform_5(%arg0: i32) -> (i32, i32) {
    %c0_i32 = arith.constant 0 : i32
    %c0_i32_0 = arith.constant 0 : i32
    %c0_i32_1 = arith.constant 0 : i32
    return %c0_i32, %c0_i32_0 : i32, i32
  }
  func.func @transform_6(%arg0: i32) -> (i32, i32) {
    %c0_i32 = arith.constant 0 : i32
    %c0_i32_0 = arith.constant 0 : i32
    %c0_i32_1 = arith.constant 0 : i32
    return %c0_i32, %c0_i32_0 : i32, i32
  }
  func.func @transform_7(%arg0: i32) -> (i32, i32) {
    %c0_i32 = arith.constant 0 : i32
    %c0_i32_0 = arith.constant 0 : i32
    %c0_i32_1 = arith.constant 0 : i32
    return %c0_i32, %c0_i32_0 : i32, i32
  }
  func.func @transform_8(%arg0: i32) -> (i32, i32) {
    %c0_i32 = arith.constant 0 : i32
    %c0_i32_0 = arith.constant 0 : i32
    return %arg0, %c0_i32 : i32, i32
  }
  func.func @transform_9(%arg0: i32) -> (i32, i32) {
    %c0_i32 = arith.constant 0 : i32
    %c0_i32_0 = arith.constant 0 : i32
    return %arg0, %c0_i32 : i32, i32
  }
  func.func @transform_10(%arg0: i32) -> (i32, i32) {
    %c0_i32 = arith.constant 0 : i32
    %c0_i32_0 = arith.constant 0 : i32
    return %arg0, %c0_i32 : i32, i32
  }
}

</mosaic_0001>

<sc_bundles>
// kernel: kernel.4.cloned.1.call-start
scs
__scs_entry_jumppad:
0x0: {  	(pc) =	sbr.rel $0x88, $3  }
0x1: {  	(tag) =	ssettag $0x0;
	lr =	simm.s32 $0x1  }
0x2: {  	[smem:$0x3F98] =	sst lr;
	_ =	strace $0xD0000000  }
0x3: {  	_ = 	snop  }
0x4: {  	_ = 	snop  }
0x5: {  	_ = 	snop  }
0x6: {  	_ = 	snop  }
0x7: {  	_ = 	snop  }
__scs_overlays_trampoline_lowered:
0x8: {  	[smem:$0x3FA7] =	sst s0  }
0x9: {  	[smem:$0x3FA8] =	sst s1  }
0xa: {  	[smem:$0x3FA9] =	sst s2  }
0xb: {  	[smem:$0x3FAA] =	sst s3  }
0xc: {  	[smem:$0x3FAB] =	sst s4  }
0xd: {  	[smem:$0x3FAC] =	sst s5  }
0xe: {  	[smem:$0x3FAD] =	sst s6  }
0xf: {  	[smem:$0x3FAE] =	sst s7  }
0x10: {  	[smem:$0x3FAF] =	sst s8  }
0x11: {  	[smem:$0x3FB0] =	sst s9;
	s0 =	simm.s32 @!p0 $0x0  }
0x12: {  	s1 =	sld [smem:$0x3F96];
	s0 =	simm.s32 @p0 $0x1  }
0x13: {  	[smem:$0x3FB1] =	sst s0;
	s0 =	simm.s32 @!p1 $0x0  }
0x14: {  	s2 =	sld [smem:$0x3F95];
	s0 =	simm.s32 @p1 $0x1  }
0x15: {  	[smem:$0x3FB2] =	sst s0;
	s0 =	simm.s32 @!p2 $0x0  }
0x16: {  	s3 =	sld [smem:$0x3FDB];
	s0 =	simm.s32 @p2 $0x1  }
0x17: {  	s4 =	simm.s32 $0x1BF5;
	[smem:$0x3FB4] =	sst s0  }
0x18: {  	s0 =	sld [smem:$0x3F97];
	_ =	swait.ge [sflag:s4], $0x0  }
0x19: {  	s7 =	sld [smem:$0x3F98]  }
0x1a: {  	s8 =	sadd.s32 $0xFFFFE003, lr  }
0x1b: {  	s9 =	sadd.s32 $0xFFFFFEF7, lr;
	s5 =	simm.s32 $0xFFFFFFFF;
	p2 =	slt.u32 s8, $0xFFFFF086  }
0x1c: {  	p1 =	slt.u32 s9, $0xF7A;
	s5 =	simm.s32 @!p2 $0x0  }
0x1d: {  	s5 =	simm.s32 @p1 $0x1;
	p0 =	seq.s32 s7, s2  }
0x1e: {  	s7 =	smul.u32 @!p0 $0xF7A, s2;
	p2 =	seq.s32 @!p0 s5, $0x0  }
0x1f: {  	s9 =	smul.u32 $0xF7A, s1;
	s8 =	simm.s32 @!p0 $0x1BF5;
	p2 =	por !p2, p0  }
0x20: {  	[sflag:s8] =	ssyncset.s32 @!p0 $0xFFFFF086;
	s6 =	sadd.s32 @!p0 s3, s7;
	s7 =	simm.s32 @!p0 $0x108  }
0x21: {  	s3 =	sadd.s32 s3, s9;
	s6 =	sadd.s32 @!p0 $0x88, s6;
	s7 =	simm.s32 @p2 $0x1082  }
0x22: {  	[simem:s7], [sflag:s8] =	dma.local @!p0 [hbm:s6], $0xF7A  }
0x23: {  	s9 =	sor.u32 $0xD0000000, s2;
	s6 =	simm.s32 $0x108;
	_ =	swait.ge @!p0 [sflag:s8], $0x0  }
0x24: {  	s3 =	sadd.s32 $0x88, s3;
	s6 =	simm.s32 @!p1 $0x1082;
	[sflag:s4] =	ssyncset.s32 $0xFFFFF086  }
0x25: {  	[simem:s6], [sflag:s4] =	dma.local [hbm:s3], $0xF7A  }
0x26: {  	[smem:$0x3F98] =	sst s1;
	(tag) =	ssettag s2;
	_ =	strace s9  }
0x27: {  	s1 =	sld [smem:$0x3FA8]  }
0x28: {  	s2 =	sld [smem:$0x3FA9]  }
0x29: {  	s4 =	sld [smem:$0x3FAB]  }
0x2a: {  	p0 =	seq.s32 s5, $0x0;
	s5 =	sld [smem:$0x3FAC]  }
0x2b: {  	s6 =	sld [smem:$0x3FAD]  }
0x2c: {  	s7 =	sld [smem:$0x3FAE]  }
0x2d: {  	s3 =	simm.s32 $0x108;
	s8 =	sld [smem:$0x3FAF]  }
0x2e: {  	s3 =	simm.s32 @!p0 $0x1082;
	s9 =	sld [smem:$0x3FB0]  }
0x2f: {  	lr =	sadd.s32 s0, s3;
	s0 =	sld [smem:$0x3FA7]  }
0x30: {  	s3 =	sld [smem:$0x3FAA]  }
0x31: {  	[smem:$0x3FB3] =	sst s10  }
0x32: {  	s10 =	sld [smem:$0x3FB1];
	_ =	sdelay $0x3  }
0x33: {  	p0 =	seq.s32 s10, $0x1;
	s10 =	sld [smem:$0x3FB3];
	_ =	sdelay $0x3  }
0x34: {  	[smem:$0x3FB3] =	sst s10  }
0x35: {  	s10 =	sld [smem:$0x3FB2];
	_ =	sdelay $0x3  }
0x36: {  	p1 =	seq.s32 s10, $0x1;
	s10 =	sld [smem:$0x3FB3];
	_ =	sdelay $0x3  }
0x37: {  	[smem:$0x3FB3] =	sst s10  }
0x38: {  	s10 =	sld [smem:$0x3FB4]  }
0x39: {  	_ = 	snop;
	(pc) =	sbr.ind lr, $3  }
0x3a: {  	_ = 	snop  }
0x3b: {  	_ = 	snop  }
0x3c: {  	p2 =	seq.s32 s10, $0x1;
	s10 =	sld [smem:$0x3FB3]  }
0x3d: {  	_ =	shalt  }
0x3e: {  	_ =	shalt  }
0x3f: {  	_ =	shalt  }
0x40: {  	_ =	shalt  }
0x41: {  	_ =	shalt  }
0x42: {  	_ =	shalt  }
0x43: {  	_ =	shalt  }
0x44: {  	_ =	shalt  }
0x45: {  	_ =	shalt  }
0x46: {  	_ =	shalt  }
0x47: {  	_ =	shalt  }
0x48: {  	_ =	shalt  }
0x49: {  	_ =	shalt  }
0x4a: {  	_ =	shalt  }
0x4b: {  	_ =	shalt  }
0x4c: {  	_ =	shalt  }
0x4d: {  	_ =	shalt  }
0x4e: {  	_ =	shalt  }
0x4f: {  	_ =	shalt  }
0x50: {  	_ =	shalt  }
0x51: {  	_ =	shalt  }
0x52: {  	_ =	shalt  }
0x53: {  	_ =	shalt  }
0x54: {  	_ =	shalt  }
0x55: {  	_ =	shalt  }
0x56: {  	_ =	shalt  }
0x57: {  	_ =	shalt  }
0x58: {  	_ =	shalt  }
0x59: {  	_ =	shalt  }
0x5a: {  	_ =	shalt  }
0x5b: {  	_ =	shalt  }
0x5c: {  	_ =	shalt  }
0x5d: {  	_ =	shalt  }
0x5e: {  	_ =	shalt  }
0x5f: {  	_ =	shalt  }
0x60: {  	_ =	shalt  }
0x61: {  	_ =	shalt  }
0x62: {  	_ =	shalt  }
0x63: {  	_ =	shalt  }
0x64: {  	_ =	shalt  }
0x65: {  	_ =	shalt  }
0x66: {  	_ =	shalt  }
0x67: {  	_ =	shalt  }
0x68: {  	_ =	shalt  }
0x69: {  	_ =	shalt  }
0x6a: {  	_ =	shalt  }
0x6b: {  	_ =	shalt  }
0x6c: {  	_ =	shalt  }
0x6d: {  	_ =	shalt  }
0x6e: {  	_ =	shalt  }
0x6f: {  	_ =	shalt  }
0x70: {  	_ =	shalt  }
0x71: {  	_ =	shalt  }
0x72: {  	_ =	shalt  }
0x73: {  	_ =	shalt  }
0x74: {  	_ =	shalt  }
0x75: {  	_ =	shalt  }
0x76: {  	_ =	shalt  }
0x77: {  	_ =	shalt  }
0x78: {  	_ =	shalt  }
0x79: {  	_ =	shalt  }
0x7a: {  	_ =	shalt  }
0x7b: {  	_ =	shalt  }
0x7c: {  	_ =	shalt  }
0x7d: {  	_ =	shalt  }
0x7e: {  	_ =	shalt  }
0x7f: {  	_ =	shalt  }
0x80: {  	_ =	shalt  }
0x81: {  	_ =	shalt  }
0x82: {  	_ =	shalt  }
0x83: {  	_ =	shalt  }
0x84: {  	_ =	shalt  }
0x85: {  	_ =	shalt  }
0x86: {  	_ =	shalt  }
0x87: {  	_ =	shalt  }
.Lfunc_end0:
.L_simem_size_0:
called_computation_lowered:
.L_overlay_start_0:
0x88: {  	s0 =	sld [smem:$0x3FD9]  }
0x89: {  	s1 =	sld [smem:$0x3FFE];
	_ =	sdelay $0x3  }
0x8a: {  	s0 =	sadd.s32 s1, s0  }
0x8b: {  	[smem:$0x3FBF] =	sst s0  }
0x8c: {  	_ = 	snop  }
0x8d: {  	s0 =	sld [smem:$0x3FD0];
	(tm) =	ssettm $0x1  }
0x8e: {  	s16 =	sld [smem:$0x3FFB];
	_ =	sdelay $0x3  }
0x8f: {  	_ =	strace s16  }
0x90: {  	s1 =	sld [smem:$0x3FFC];
	_ =	sdelay $0x3  }
0x91: {  	_ =	strace s1  }
0x92: {  	s1 =	sld [smem:$0x3FFD];
	_ =	sdelay $0x3  }
0x93: {  	_ =	strace s1  }
0x94: {  	_ =	strace $0x8FFFFFFF  }
0x95: {  	s17 =	sld [smem:$0x3FDB];
	_ =	sdelay $0x1  }
0x96: {  	s2 =	simm.s32 $_scs_section_size  }
0x97: {  	s3 =	simm.s32 $_size__tile_overlayer_lowered;
	s4 =	simm.s32 $_tile_overlayer_lowered  }
0x98: {  	s20 =	simm.s32 $0x1BFF;
	s19 =	sshll.u32 s4, $0x1;
	s1 =	sadd.s32 s2, s17  }
0x99: {  	s5 =	simm.s32 $0x0;
	s18 =	sshll.u32 s3, $0x1;
	s3 =	sadd.s32 s19, s1  }
0x9a: {  	[timem:s5], [sflag:s20] =	dma.local [hbm:s3], s18  }
0x9b: {  	_ =	swait.ge [sflag:s20], s18  }
0x9c: {  	s2 =	ssub.s32 $0x0, s18;
	[sflag:s20] =	ssyncset.done $0x0  }
0x9d: {  	[sflag:s20] =	ssyncadd.s32 s2;
	_ =	sdelay $0x1  }
0x9e: {  	s21 =	simm.s32 $0x1B8B  }
0x9f: {  	_ =	swait.ge [sflag:s21], $0x1  }
0xa0: {  	[sflag:s21] =	ssyncset.done $0x0  }
0xa1: {  	s23 =	simm.s32 $0x1B8E;
	s22 =	sld [smem:$0x3FFE];
	[sflag:s21] =	ssyncadd.s32 $0xFFFFFFFF  }
0xa2: {  	s24 =	simm.s32 $execute0_lowered;
	[smem:$0x3FD2] =	sst s23  }
0xa3: {  	s3 =	sshll.u32 s24, $0x1;
	_ =	strace $0x80000046;
	[dreg:$0x1] =	wrdreg $0xFFFFFFFF  }
0xa4: {  	s25 =	simm.s32 $_size_execute0_lowered;
	s1 =	sadd.s32 s1, s3;
	[dreg:$0x0] =	wrdreg $0x0  }
0xa5: {  	s3 =	sshll.u32 s25, $0x1;
	[dreg:$0x2] =	wrdreg s1  }
0xa6: {  	[dreg:$0x3] =	wrdreg s3  }
0xa7: {  	[dreg:$0x4] =	wrdreg $0xC0  }
0xa8: {  	_ =	task [dreg:s5], $0x5FFFF  }
0xa9: {  	[dreg:$0x1] =	wrdreg $0xFFFFFFFF  }
0xaa: {  	[dreg:$0x0] =	wrdreg $0x60  }
0xab: {  	[dreg:$0x2] =	wrdreg s22  }
0xac: {  	[dreg:$0x3] =	wrdreg s0  }
0xad: {  	[dreg:$0x4] =	wrdreg $0x18F000  }
0xae: {  	[dreg:$0x5] =	wrdreg $0x191800  }
0xaf: {  	[dreg:$0x6] =	wrdreg $0x194000  }
0xb0: {  	[dreg:$0x7] =	wrdreg $0x9  }
0xb1: {  	_ =	task.clear_ibuf [dreg:s5], $0x8FFFF;
	_ =	strace $0x90000046  }
0xb2: {  	s26 =	simm.s32 $0x9;
	_ =	strace $0x80000048  }
0xb3: {  	_ =	swait.ge [sflag:s26], $0x1  }
0xb4: {  	[sflag:s26] =	ssyncadd.s32 $0xFFFFFFFF  }
0xb5: {  	_ =	strace $0x90000048  }
0xb6: {  	_ =	sfence  }
0xb7: {  	s28 =	sld [smem:$0x0];
	_ =	sdelay $0x1  }
0xb8: {  	s29 =	srdreg.scid  }
0xb9: {  	s30 =	sshll.u32 s29, $0xD;
	s31 =	sshrl.u32 s29, $0x2  }
0xba: {  	s2 =	sand.u32 $0x4000, s30;
	s1 =	sand.u32 $0x1, s29;
	s0 =	sadd.s32 s31, s28  }
0xbb: {  	s1 =	sor.u32 s2, s1;
	s0 =	sshll.u32 s0, $0x11  }
0xbc: {  	s0 =	sor.u32 s0, s1  }
0xbd: {  	s0 =	sadd.s32 $0x8F2B, s0  }
0xbe: {  	[sflag:s0] =	ssyncadd.remote.s32 $0x1  }
0xbf: {  	_ =	sfence.sel $0xFFFF  }
0xc0: {  	[dreg:$0x0] =	wrdreg $0xFFFFFFFF;
	(pc) =	sbr.abs _section_cstart, $3  }
0xc1: {  	[dreg:$0x1] =	wrdreg $0xFFFFFFFF  }
0xc2: {  	_ =	task.clear_ibuf [dreg:s5], $0x2FFFF;
	_ =	strace $0x9FFFFFFF  }
0xc3: {  	(tm) =	ssettm $0x7FFFFFFF  }
tec
execute0_lowered:
.L_overlay_start_1:
0x0: {  	(tag) =	ssettag $0x1  }
0x1: {  	s2 =	rddreg [dreg:$0x0]  }
0x2: {  	s5 =	rddreg [dreg:$0x1]  }
0x3: {  	s8 =	rddreg [dreg:$0x2];
	s0 =	stileid.u32  }
0x4: {  	s4 =	rddreg [dreg:$0x3];
	s6 =	smul.u32 $0x9C4, s0  }
0x5: {  	s3 =	rddreg [dreg:$0x4];
	s7 =	simm.s32 $0x0  }
0x6: {  	[smem:$0x7FF] =	sst s7;
	s9 =	sadd.s32 s6, s2  }
0x7: {  	s1 =	rddreg [dreg:$0x5];
	_ =	strace $0x80000047;
	s9 =	sadd.s32 $0x1800, s9  }
0x8: {  	[tilespmem:s7], [sflag:$0x1] =	stream.linear.gather [hbm4b:s9+s7], $0x4E20, $0x38;
	[tilespmem:$0x19680] =	vst v63  }
0x9: {  	s25 =	simm.s32 $0x4E80;
	s5 =	sadd.s32 s5, s6  }
0xa: {  	[tilespmem:s25], [sflag:$0x2] =	stream.linear.gather [hbm4b:s5+s7], $0x4E20, $0x38;
	[tilespmem:$0x19680] =	vst v63  }
0xb: {  	v0 =	vimm.f32 $0.0e+00;
	s5 =	simm.s32 $0x9D40  }
0xc: {  	[tilespmem:s5+$0xFFFFFFC0] =	vst v0  }
0xd: {  	[tilespmem:s5+$0x30] =	vst v0  }
0xe: {  	[tilespmem:s5+$0x10] =	vst v0  }
0xf: {  	[tilespmem:s5+$0xFFFFFFE0] =	vst v0  }
0x10: {  	[tilespmem:s5+$0x20] =	vst v0  }
0x11: {  	[tilespmem:s5+$0xFFFFFFF0] =	vst v0  }
0x12: {  	v1 =	vlaneseq.u32;
	s6 =	simm.s32 $0x70;
	[tilespmem:s5+$0x0] =	vst v0  }
0x13: {  	s10 =	simm.s32 $0x50;
	v2 =	vor.u32 s6, v1;
	s7 =	simm.s32 $0xC540;
	[tilespmem:s5+$0xFFFFFFD0] =	vst v0  }
0x14: {  	s26 =	simm.s32 $0x60;
	v3 =	vor.u32 s10, v1;
	[tilespmem:s7+$0x30] =	vst v2  }
0x15: {  	s30 =	simm.s32 $0x30;
	v2 =	vor.u32 s26, v1;
	[tilespmem:s7+$0x10] =	vst v3  }
0x16: {  	s28 =	simm.s32 $0x20;
	v3 =	vor.u32 s30, v1;
	[tilespmem:s7+$0x20] =	vst v2  }
0x17: {  	s31 =	simm.s32 $0x10;
	v2 =	vor.u32 s28, v1;
	[tilespmem:s7+$0xFFFFFFF0] =	vst v3  }
0x18: {  	s29 =	simm.s32 $0x40;
	v3 =	vor.u32 s31, v1;
	[tilespmem:s7+$0xFFFFFFE0] =	vst v2  }
0x19: {  	s11 =	simm.s32 $0x0;
	s10 =	simm.s32 $0x0;
	v2 =	vor.u32 s29, v1;
	[tilespmem:s7+$0xFFFFFFD0] =	vst v3  }
0x1a: {  	s9 =	sadd.s32 $0xBC00, s2;
	s2 =	sadd.s32 $0xB600, s2;
	[tilespmem:s7+$0x0] =	vst v2;
	v2 =	vor.u32 s11, v1;
	s11 =	simm.s32 $0xC5C0  }
.LBB2_1:
0x1b: {  	s10 =	sadd.s32 $0x8, s10;
	[tilespmem:s7+$0xFFFFFFC0] =	vst v2;
	s6 =	sadd.s32 $0x80, s6;
	s5 =	sadd.s32 $0x80, s5  }
0x1c: {  	s7 =	smov.u32 s11;
	[tilespmem:s5+$0xFFFFFFC0] =	vst v0;
	p0 =	slt.u32 s10, $0x278  }
0x1d: {  	v2 =	vor.u32 s6, v1;
	[tilespmem:s5+$0x30] =	vst v0  }
0x1e: {  	[tilespmem:s11+$0x30] =	vst v2  }
0x1f: {  	[tilespmem:s5+$0x10] =	vst v0  }
0x20: {  	s12 =	sadd.s32 $0xFFFFFFF0, s6;
	[tilespmem:s5+$0xFFFFFFE0] =	vst v0  }
0x21: {  	s13 =	sadd.s32 $0xFFFFFFE0, s6;
	v2 =	vor.u32 s12, v1;
	[tilespmem:s5+$0x20] =	vst v0  }
0x22: {  	v3 =	vor.u32 s13, v1;
	s12 =	sadd.s32 $0xFFFFFFB0, s6;
	[tilespmem:s11+$0x20] =	vst v2  }
0x23: {  	v2 =	vor.u32 s12, v1;
	[tilespmem:s11+$0x10] =	vst v3  }
0x24: {  	[tilespmem:s11+$0xFFFFFFE0] =	vst v2  }
0x25: {  	s12 =	sadd.s32 $0xFFFFFFD0, s6;
	[tilespmem:s5+$0xFFFFFFF0] =	vst v0  }
.Ltmp0:
0x26: {  	s13 =	sadd.s32 $0xFFFFFFC0, s6;
	v2 =	vor.u32 s12, v1;
	[tilespmem:s5+$0x0] =	vst v0;
	(pc) =	sbr.rel @p0 .LBB2_1-.Ltmp0, $4  }
0x27: {  	v3 =	vor.u32 s13, v1;
	[tilespmem:s11+$0x0] =	vst v2  }
0x28: {  	s12 =	sadd.s32 $0xFFFFFFA0, s6;
	[tilespmem:s11+$0xFFFFFFF0] =	vst v3  }
0x29: {  	s13 =	sadd.s32 $0xFFFFFF90, s6;
	v3 =	vor.u32 s12, v1;
	[tilespmem:s5+$0xFFFFFFD0] =	vst v0  }
0x2a: {  	v2 =	vor.u32 s13, v1;
	s11 =	sadd.s32 $0x80, s11;
	[tilespmem:s7+$0xFFFFFFD0] =	vst v3  }
0x2b: {  	[tilespmem:s7+$0xFFFFFFC0] =	vst v2;
	s5 =	simm.s32 $0x18A40;
	v0 =	vimm.f32 $0.0e+00  }
0x2c: {  	[tilespmem:s5+$0xFFFFFFC0] =	vst v0  }
0x2d: {  	[tilespmem:s5+$0x30] =	vst v0  }
0x2e: {  	[tilespmem:s5+$0x20] =	vst v0  }
0x2f: {  	[tilespmem:s5+$0x10] =	vst v0  }
0x30: {  	[tilespmem:s5+$0x0] =	vst v0  }
0x31: {  	[tilespmem:s5+$0xFFFFFFF0] =	vst v0  }
0x32: {  	s6 =	simm.s32 $0x0;
	[tilespmem:s5+$0xFFFFFFE0] =	vst v0  }
.LBB2_3:
0x33: {  	s6 =	sadd.s32 $0x8, s6;
	[tilespmem:s5+$0xFFFFFFD0] =	vst v0;
	s5 =	sadd.s32 $0x80, s5  }
0x34: {  	[tilespmem:s5+$0xFFFFFFC0] =	vst v0;
	p0 =	slt.u32 s6, $0x20  }
0x35: {  	[tilespmem:s5+$0x30] =	vst v0  }
.Ltmp1:
0x36: {  	[tilespmem:s5+$0x20] =	vst v0;
	(pc) =	sbr.rel @p0 .LBB2_3-.Ltmp1, $4  }
0x37: {  	[tilespmem:s5+$0x10] =	vst v0  }
0x38: {  	[tilespmem:s5+$0x0] =	vst v0  }
0x39: {  	[tilespmem:s5+$0xFFFFFFF0] =	vst v0  }
0x3a: {  	[tilespmem:s5+$0xFFFFFFE0] =	vst v0  }
0x3b: {  	s7 =	smul.u32 $0x280, s0;
	_ =	sdelay $0x1  }
0x3c: {  	[tilespmem:s5+$0xFFFFFFD0] =	vst v0;
	s11 =	simm.s32 $0x18A00;
	s12 =	simm.s32 $0x3;
	s10 =	sadd.s32 s7, s8  }
0x3d: {  	[spmem:s10] =	stream.linear.scatter [tilespmem:s11], [sflag:$0x3], $0x280, $0x38;
	[tilespmem:$0x19680] =	vst v63  }
0x3e: {  	_ =	swait.ge [sflag:s12], $0x280  }
0x3f: {  	[sflag:s12] =	ssyncset.done $0x0  }
0x40: {  	s5 =	sadd.s32 s7, s4;
	[sflag:s12] =	ssyncadd.s32 $0xFFFFFD80  }
0x41: {  	[spmem:s5] =	stream.linear.scatter [tilespmem:s11], [sflag:$0x3], $0x280, $0x38;
	[tilespmem:$0x19680] =	vst v63  }
0x42: {  	_ =	swait.ge [sflag:s12], $0x280  }
0x43: {  	[sflag:s12] =	ssyncset.done $0x0  }
0x44: {  	s6 =	sadd.s32 s7, s3;
	[sflag:s12] =	ssyncadd.s32 $0xFFFFFD80  }
0x45: {  	[spmem:s6] =	stream.linear.scatter [tilespmem:s11], [sflag:$0x3], $0x280, $0x38;
	[tilespmem:$0x19680] =	vst v63  }
0x46: {  	_ =	swait.ge [sflag:s12], $0x280  }
0x47: {  	[sflag:s12] =	ssyncset.done $0x0  }
0x48: {  	s31 =	simm.s32 $0x1;
	[sflag:s12] =	ssyncadd.s32 $0xFFFFFD80  }
0x49: {  	_ =	swait.ge [sflag:s31], $0x4E20  }
0x4a: {  	[sflag:s31] =	ssyncset.done $0x0  }
0x4b: {  	s11 =	simm.s32 $0x40;
	[sflag:s31] =	ssyncadd.s32 $0xFFFFB1E0  }
0x4c: {  	v2 =	vld [tilespmem:s11+$0xFFFFFFC0]  }
0x4d: {  	v3 =	vld [tilespmem:s11+$0x30]  }
0x4e: {  	v4 =	vld [tilespmem:s11+$0x20]  }
0x4f: {  	v5 =	vld [tilespmem:s11+$0x10]  }
0x50: {  	v6 =	vld [tilespmem:s11+$0x0]  }
0x51: {  	v7 =	vld [tilespmem:s11+$0xFFFFFFF0]  }
0x52: {  	v8 =	vld [tilespmem:s11+$0xFFFFFFE0]  }
0x53: {  	v0 =	vimm.f32 $1.000000000e+00;
	s12 =	simm.s32 $0x9D00;
	v1 =	vld [tilespmem:s11+$0xFFFFFFD0]  }
0x54: {  	[tilespmem:v2+s12+$0x0] =	vst.idx.add.f32.msk $0xffff, v0  }
0x55: {  	[tilespmem:v3+s12+$0x0] =	vst.idx.add.f32.msk $0xffff, v0  }
0x56: {  	[tilespmem:v4+s12+$0x0] =	vst.idx.add.f32.msk $0xffff, v0  }
0x57: {  	[tilespmem:v5+s12+$0x0] =	vst.idx.add.f32.msk $0xffff, v0  }
0x58: {  	[tilespmem:v6+s12+$0x0] =	vst.idx.add.f32.msk $0xffff, v0  }
0x59: {  	[tilespmem:v7+s12+$0x0] =	vst.idx.add.f32.msk $0xffff, v0  }
0x5a: {  	s13 =	simm.s32 $0x0;
	[tilespmem:v8+s12+$0x0] =	vst.idx.add.f32.msk $0xffff, v0  }
.LBB2_5:
0x5b: {  	s13 =	sadd.s32 $0x8, s13;
	[tilespmem:v1+s12+$0x0] =	vst.idx.add.f32.msk $0xffff, v0;
	s11 =	sadd.s32 $0x80, s11  }
0x5c: {  	v2 =	vld [tilespmem:s11+$0xFFFFFFC0];
	p0 =	slt.u32 s13, $0x4D8  }
0x5d: {  	v3 =	vld [tilespmem:s11+$0x30]  }
0x5e: {  	v4 =	vld [tilespmem:s11+$0x20]  }
0x5f: {  	v5 =	vld [tilespmem:s11+$0x10]  }
0x60: {  	v6 =	vld [tilespmem:s11+$0x0]  }
0x61: {  	v7 =	vld [tilespmem:s11+$0xFFFFFFF0]  }
0x62: {  	v8 =	vld [tilespmem:s11+$0xFFFFFFE0]  }
0x63: {  	v1 =	vld [tilespmem:s11+$0xFFFFFFD0]  }
0x64: {  	[tilespmem:v2+s12+$0x0] =	vst.idx.add.f32.msk $0xffff, v0  }
0x65: {  	[tilespmem:v3+s12+$0x0] =	vst.idx.add.f32.msk $0xffff, v0  }
.Ltmp2:
0x66: {  	[tilespmem:v4+s12+$0x0] =	vst.idx.add.f32.msk $0xffff, v0;
	(pc) =	sbr.rel @p0 .LBB2_5-.Ltmp2, $4  }
0x67: {  	[tilespmem:v5+s12+$0x0] =	vst.idx.add.f32.msk $0xffff, v0  }
0x68: {  	[tilespmem:v6+s12+$0x0] =	vst.idx.add.f32.msk $0xffff, v0  }
0x69: {  	[tilespmem:v7+s12+$0x0] =	vst.idx.add.f32.msk $0xffff, v0  }
0x6a: {  	[tilespmem:v8+s12+$0x0] =	vst.idx.add.f32.msk $0xffff, v0  }
0x6b: {  	_ =	sdelay $0x3  }
0x6c: {  	[tilespmem:v1+s12+$0x0] =	vst.idx.add.f32.msk $0xffff, v0;
	s11 =	simm.s32 $0x0;
	v0 =	vimm.f32 $1.000000000e+00;
	s12 =	simm.s32 $0x9D00  }
.LBB2_7:
0x6d: {  	s13 =	sshra.s32 s11, $0x2  }
0x6e: {  	v1 =	vld [tilespmem:s13+$0x4E00];
	_ =	sdelay $0x2  }
0x6f: {  	p0 =	sne.s32 s11, $0x40  }
.Ltmp3:
0x70: {  	_ = 	snop;
	(pc) =	sbr.rel @p0 .LBB2_7-.Ltmp3, $2  }
0x71: {  	_ =	sdelay $0x2  }
0x72: {  	s11 =	sadd.s32 $0x40, s11;
	[tilespmem:v1+s12+$0x0] =	vst.idx.add.f32.msk $0xffff, v0  }
0x73: {  	[bflag:$0x0] =	sbarrier.arrive $0xFFFF;
	s11 =	simm.s32 $0x2800  }
0x74: {  	s12 =	simm.s32 $0xC500;
	s13 =	simm.s32 $0x9D00;
	s30 =	simm.s32 $0x3  }
0x75: {  	[spmem:s8] =	stream.indirect.scatter.add.f32 [tilespmem:s13], [sflag:$0x3], $0x1, s12, s11, $0xb8;
	[tilespmem:$0x19680] =	vst v63  }
0x76: {  	_ =	swait.ge [sflag:s30], $0x2800  }
0x77: {  	[sflag:s30] =	ssyncset.done $0x0  }
0x78: {  	[sflag:s30] =	ssyncadd.s32 $0xFFFFD800  }
0x79: {  	s31 =	simm.s32 $0x18A00;
	[bflag:$0x0] =	sbarrier.arrive $0xFFFF  }
0x7a: {  	[tilespmem:s31], [sflag:$0x3] =	stream.linear.gather [spmem:s10], $0x280, $0x38;
	[tilespmem:$0x19680] =	vst v63  }
0x7b: {  	_ =	swait.ge [sflag:s30], $0x280  }
0x7c: {  	[sflag:s30] =	ssyncset.done $0x0  }
0x7d: {  	s12 =	simm.s32 $0x18A40;
	[sflag:s30] =	ssyncadd.s32 $0xFFFFFD80  }
0x7e: {  	v0 =	vld [tilespmem:s12+$0x30]  }
0x7f: {  	v1 =	vld [tilespmem:s12+$0xFFFFFFD0]  }
0x80: {  	v2 =	vld [tilespmem:s12+$0xFFFFFFE0]  }
0x81: {  	v3 =	vld [tilespmem:s12+$0xFFFFFFF0]  }
0x82: {  	v4 =	vld [tilespmem:s12+$0x0]  }
0x83: {  	v5 =	vld [tilespmem:s12+$0x10]  }
0x84: {  	v6 =	vld [tilespmem:s12+$0x20];
	v0 =	vadd.f32 $1.000000000e+00, v0  }
0x85: {  	s11 =	simm.s32 $0x18AC0;
	v7 =	vld [tilespmem:s12+$0xFFFFFFC0];
	v1 =	vadd.f32 $1.000000000e+00, v1  }
0x86: {  	v2 =	vadd.f32 $1.000000000e+00, v2;
	(erf) = vrcp.f32 v0;
	v0 =	vld [tilespmem:s11+$0x30]  }
0x87: {  	v3 =	vadd.f32 $1.000000000e+00, v3;
	(erf) = vrcp.f32 v1;
	v1 =	vld [tilespmem:s11+$0xFFFFFFD0]  }
0x88: {  	v4 =	vadd.f32 $1.000000000e+00, v4;
	(erf) = vrcp.f32 v2;
	v2 =	vld [tilespmem:s11+$0xFFFFFFE0]  }
0x89: {  	s13 =	simm.s32 $0x18B40;
	v5 =	vadd.f32 $1.000000000e+00, v5;
	(erf) = vrcp.f32 v3;
	v3 =	vld [tilespmem:s11+$0xFFFFFFF0]  }
0x8a: {  	v8 =	vld [tilespmem:s13+$0x30];
	v6 =	vadd.f32 $1.000000000e+00, v6;
	(erf) = vrcp.f32 v4  }
0x8b: {  	v7 =	vadd.f32 $1.000000000e+00, v7;
	v4 =	vld [tilespmem:s11+$0x0];
	(erf) = vrcp.f32 v5  }
0x8c: {  	v5 =	vld [tilespmem:s11+$0x10];
	v0 =	vadd.f32 $1.000000000e+00, v0;
	(erf) = vrcp.f32 v6;
	v1 =	vadd.f32 $1.000000000e+00, v1  }
0x8d: {  	v6 =	vld [tilespmem:s11+$0x20];
	(erf) = vrcp.f32 v7  }
0x8e: {  	v7 =	vld [tilespmem:s11+$0xFFFFFFC0];
	v2 =	vadd.f32 $1.000000000e+00, v2;
	(erf) = vrcp.f32 v0;
	v0 =	vadd.f32 $1.000000000e+00, v3  }
0x8f: {  	(erf) = vrcp.f32 v1  }
0x90: {  	v3 =	vadd.f32 $1.000000000e+00, v4;
	v1 =	vpop (erf);
	(erf) = vrcp.f32 v2  }
0x91: {  	v9 =	vld [tilespmem:s13+$0xFFFFFFD0];
	v4 =	vadd.f32 $1.000000000e+00, v5;
	[tilespmem:s12+$0x30] =	vst v1;
	v1 =	vpop (erf);
	(erf) = vrcp.f32 v0  }
0x92: {  	v10 =	vld [tilespmem:s13+$0xFFFFFFE0];
	v5 =	vadd.f32 $1.000000000e+00, v6;
	[tilespmem:s12+$0xFFFFFFD0] =	vst v1;
	v0 =	vpop (erf);
	(erf) = vrcp.f32 v3  }
0x93: {  	v2 =	vld [tilespmem:s13+$0xFFFFFFF0];
	v6 =	vadd.f32 $1.000000000e+00, v7;
	v7 =	vadd.f32 $1.000000000e+00, v8;
	[tilespmem:s12+$0xFFFFFFE0] =	vst v0;
	v1 =	vpop (erf);
	(erf) = vrcp.f32 v4  }
0x94: {  	v0 =	vld [tilespmem:s13+$0x0];
	[tilespmem:s12+$0xFFFFFFF0] =	vst v1;
	v3 =	vpop (erf);
	(erf) = vrcp.f32 v5  }
0x95: {  	v1 =	vld [tilespmem:s13+$0x10];
	[tilespmem:s12+$0x0] =	vst v3;
	v4 =	vpop (erf);
	(erf) = vrcp.f32 v6  }
0x96: {  	v3 =	vld [tilespmem:s13+$0x20];
	v6 =	vadd.f32 $1.000000000e+00, v9;
	[tilespmem:s12+$0x10] =	vst v4;
	v8 =	vpop (erf);
	(erf) = vrcp.f32 v7  }
0x97: {  	s14 =	simm.s32 $0x10;
	s15 =	simm.s32 $0x18BC0;
	v5 =	vadd.f32 $1.000000000e+00, v10;
	v4 =	vld [tilespmem:s13+$0xFFFFFFC0];
	[tilespmem:s12+$0x20] =	vst v8;
	v7 =	vpop (erf)  }
.LBB2_9:
0x98: {  	v8 =	vld [tilespmem:s15+$0x30];
	s14 =	sadd.s32 $0x8, s14;
	v2 =	vadd.f32 $1.000000000e+00, v2;
	(erf) = vrcp.f32 v6;
	v6 =	vpop (erf);
	[tilespmem:s12+$0xFFFFFFC0] =	vst v7;
	s12 =	smov.u32 s11;
	s11 =	smov.u32 s13  }
0x99: {  	s13 =	smov.u32 s15;
	v7 =	vld [tilespmem:s15+$0xFFFFFFD0];
	p0 =	slt.u32 s14, $0x20;
	v0 =	vadd.f32 $1.000000000e+00, v0;
	(erf) = vrcp.f32 v5;
	[tilespmem:s12+$0x30] =	vst v6;
	v5 =	vpop (erf)  }
0x9a: {  	v9 =	vld [tilespmem:s15+$0xFFFFFFE0];
	v1 =	vadd.f32 $1.000000000e+00, v1;
	(erf) = vrcp.f32 v2;
	[tilespmem:s12+$0xFFFFFFD0] =	vst v5;
	v5 =	vpop (erf)  }
.Ltmp4:
0x9b: {  	v2 =	vld [tilespmem:s15+$0xFFFFFFF0];
	v3 =	vadd.f32 $1.000000000e+00, v3;
	(erf) = vrcp.f32 v0;
	[tilespmem:s12+$0xFFFFFFE0] =	vst v5;
	v5 =	vpop (erf);
	(pc) =	sbr.rel @p0 .LBB2_9-.Ltmp4, $4  }
0x9c: {  	v0 =	vld [tilespmem:s15+$0x0];
	v4 =	vadd.f32 $1.000000000e+00, v4;
	(erf) = vrcp.f32 v1;
	[tilespmem:s12+$0xFFFFFFF0] =	vst v5;
	v5 =	vpop (erf)  }
0x9d: {  	v1 =	vld [tilespmem:s15+$0x10];
	v8 =	vadd.f32 $1.000000000e+00, v8;
	(erf) = vrcp.f32 v3;
	[tilespmem:s12+$0x0] =	vst v5;
	v5 =	vpop (erf)  }
0x9e: {  	v6 =	vadd.f32 $1.000000000e+00, v7;
	v3 =	vld [tilespmem:s15+$0x20];
	(erf) = vrcp.f32 v4;
	[tilespmem:s12+$0x10] =	vst v5;
	v7 =	vpop (erf)  }
0x9f: {  	s15 =	sadd.s32 $0x80, s15;
	v4 =	vld [tilespmem:s13+$0xFFFFFFC0];
	v5 =	vadd.f32 $1.000000000e+00, v9;
	(erf) = vrcp.f32 v8;
	[tilespmem:s12+$0x20] =	vst v7;
	v7 =	vpop (erf)  }
0xa0: {  	v2 =	vadd.f32 $1.000000000e+00, v2  }
0xa1: {  	v0 =	vadd.f32 $1.000000000e+00, v0  }
0xa2: {  	(erf) = vrcp.f32 v6;
	v6 =	vpop (erf);
	[tilespmem:s12+$0xFFFFFFC0] =	vst v7  }
0xa3: {  	(erf) = vrcp.f32 v5;
	[tilespmem:s11+$0x30] =	vst v6;
	v5 =	vpop (erf)  }
0xa4: {  	v1 =	vadd.f32 $1.000000000e+00, v1;
	(erf) = vrcp.f32 v2;
	[tilespmem:s11+$0xFFFFFFD0] =	vst v5;
	v2 =	vpop (erf)  }
0xa5: {  	v3 =	vadd.f32 $1.000000000e+00, v3;
	(erf) = vrcp.f32 v0;
	[tilespmem:s11+$0xFFFFFFE0] =	vst v2;
	v0 =	vpop (erf)  }
0xa6: {  	v2 =	vadd.f32 $1.000000000e+00, v4;
	(erf) = vrcp.f32 v1;
	[tilespmem:s11+$0xFFFFFFF0] =	vst v0;
	v0 =	vpop (erf)  }
0xa7: {  	(erf) = vrcp.f32 v3;
	[tilespmem:s11+$0x0] =	vst v0;
	v0 =	vpop (erf)  }
0xa8: {  	(erf) = vrcp.f32 v2;
	[tilespmem:s11+$0x10] =	vst v0;
	v0 =	vpop (erf)  }
0xa9: {  	[tilespmem:s11+$0x20] =	vst v0;
	v0 =	vpop (erf)  }
0xaa: {  	v1 =	vpop (erf);
	[tilespmem:s11+$0xFFFFFFC0] =	vst v0  }
0xab: {  	[tilespmem:s13+$0x30] =	vst v1;
	v0 =	vpop (erf)  }
0xac: {  	[tilespmem:s13+$0xFFFFFFD0] =	vst v0;
	v0 =	vpop (erf)  }
0xad: {  	[tilespmem:s13+$0xFFFFFFE0] =	vst v0;
	v0 =	vpop (erf)  }
0xae: {  	[tilespmem:s13+$0xFFFFFFF0] =	vst v0;
	v0 =	vpop (erf)  }
0xaf: {  	[tilespmem:s13+$0x0] =	vst v0;
	v0 =	vpop (erf)  }
0xb0: {  	[tilespmem:s13+$0x10] =	vst v0;
	v0 =	vpop (erf)  }
0xb1: {  	[tilespmem:s13+$0x20] =	vst v0;
	v0 =	vpop (erf)  }
0xb2: {  	s25 =	simm.s32 $0x18A00;
	s26 =	simm.s32 $0x3;
	[tilespmem:s13+$0xFFFFFFC0] =	vst v0  }
0xb3: {  	[spmem:s10] =	stream.linear.scatter [tilespmem:s25], [sflag:$0x3], $0x280, $0x38;
	[tilespmem:$0x19680] =	vst v63  }
0xb4: {  	_ =	swait.ge [sflag:s26], $0x280  }
0xb5: {  	s7 =	sshrl.u32 s7, $0x3;
	[sflag:s26] =	ssyncset.done $0x0  }
0xb6: {  	s28 =	simm.s32 $0x0;
	s9 =	sadd.s32 s9, s7;
	[sflag:s26] =	ssyncadd.s32 $0xFFFFFD80  }
0xb7: {  	[hbm4b:s9+s28] =	stream.linear.scatter [tilespmem:s25], [sflag:$0x3], $0x280, $0x38;
	[tilespmem:$0x19680] =	vst v63  }
0xb8: {  	_ =	swait.ge [sflag:s26], $0x280  }
0xb9: {  	[sflag:s26] =	ssyncset.done $0x0  }
0xba: {  	[sflag:s26] =	ssyncadd.s32 $0xFFFFFD80  }
0xbb: {  	s9 =	simm.s32 $0x9D00;
	[bflag:$0x0] =	sbarrier.arrive $0xFFFF  }
0xbc: {  	[tilespmem:s9], [sflag:$0x3] =	stream.linear.gather [spmem:s8], $0x2800, $0x38;
	[tilespmem:$0x19680] =	vst v63  }
0xbd: {  	_ =	swait.ge [sflag:s26], $0x2800  }
0xbe: {  	[sflag:s26] =	ssyncset.done $0x0  }
0xbf: {  	s29 =	simm.s32 $0x2;
	[sflag:s26] =	ssyncadd.s32 $0xFFFFD800  }
0xc0: {  	_ =	swait.ge [sflag:s29], $0x4E20  }
0xc1: {  	[sflag:s29] =	ssyncset.done $0x0  }
0xc2: {  	s30 =	simm.s32 $0x40;
	[sflag:s29] =	ssyncadd.s32 $0xFFFFB1E0  }
0xc3: {  	v0 =	vld [tilespmem:s30+$0x10]  }
0xc4: {  	v1 =	vld [tilespmem:s30+$0xFFFFFFE0]  }
0xc5: {  	v2 =	vld [tilespmem:s30+$0xFFFFFFC0]  }
0xc6: {  	v3 =	vld [tilespmem:s30+$0x20]  }
0xc7: {  	v4 =	vld [tilespmem:s30+$0xFFFFFFD0]  }
0xc8: {  	v6 =	vld [tilespmem:s30+$0x0]  }
0xc9: {  	v7 =	vld [tilespmem:s30+$0x30]  }
0xca: {  	s31 =	simm.s32 $0xC0;
	v9 =	vld [tilespmem:s30+$0xFFFFFFF0]  }
0xcb: {  	v13 =	vld [tilespmem:s31+$0x20]  }
0xcc: {  	v11 =	vld.idx.msk [tilespmem:v0+s9+$0x0], $0xffff  }
0xcd: {  	v8 =	vld.idx.msk [tilespmem:v1+s9+$0x0], $0xffff  }
0xce: {  	v1 =	vld.idx.msk [tilespmem:v2+s9+$0x0], $0xffff  }
0xcf: {  	v5 =	vld.idx.msk [tilespmem:v4+s9+$0x0], $0xffff  }
0xd0: {  	v0 =	vld.idx.msk [tilespmem:v6+s9+$0x0], $0xffff  }
0xd1: {  	v2 =	vld.idx.msk [tilespmem:v7+s9+$0x0], $0xffff  }
0xd2: {  	v6 =	vld.idx.msk [tilespmem:v9+s9+$0x0], $0xffff  }
0xd3: {  	v4 =	vld [tilespmem:s31+$0x10]  }
0xd4: {  	v7 =	vld [tilespmem:s31+$0xFFFFFFE0]  }
0xd5: {  	v9 =	vld [tilespmem:s31+$0xFFFFFFC0]  }
0xd6: {  	v14 =	vld [tilespmem:s31+$0xFFFFFFD0]  }
0xd7: {  	v16 =	vld [tilespmem:s31+$0x0];
	v10 =	vmul.f32 $1.442695020e+00, v11  }
0xd8: {  	v3 =	vld.idx.msk [tilespmem:v3+s9+$0x0], $0xffff  }
0xd9: {  	v17 =	vld [tilespmem:s31+$0x30];
	(erf) = vpow2.f32 v10;
	v10 =	vmul.f32 $1.442695020e+00, v0  }
0xda: {  	v18 =	vld [tilespmem:s31+$0xFFFFFFF0];
	v19 =	vmul.f32 $1.442695020e+00, v1  }
0xdb: {  	v15 =	vld.idx.msk [tilespmem:v4+s9+$0x0], $0xffff;
	v4 =	vmul.f32 $1.442695020e+00, v8;
	(erf) = vpow2.f32 v10  }
0xdc: {  	v20 =	vmul.f32 $1.442695020e+00, v5;
	v12 =	vld.idx.msk [tilespmem:v7+s9+$0x0], $0xffff;
	(erf) = vpow2.f32 v19  }
0xdd: {  	v10 =	vld.idx.msk [tilespmem:v9+s9+$0x0], $0xffff;
	v9 =	vmul.f32 $1.442695020e+00, v3;
	(erf) = vpow2.f32 v4  }
0xde: {  	v7 =	vld.idx.msk [tilespmem:v13+s9+$0x0], $0xffff;
	v19 =	vmul.f32 $1.442695020e+00, v6;
	(erf) = vpow2.f32 v20  }
0xdf: {  	v13 =	vld.idx.msk [tilespmem:v14+s9+$0x0], $0xffff;
	v14 =	vmul.f32 $1.442695020e+00, v2;
	(erf) = vpow2.f32 v9  }
0xe0: {  	(erf) = vpow2.f32 v19  }
0xe1: {  	v4 =	vld.idx.msk [tilespmem:v16+s9+$0x0], $0xffff;
	(erf) = vpow2.f32 v14  }
0xe2: {  	s12 =	simm.s32 $0xED40;
	s14 =	simm.s32 $0x140;
	s11 =	simm.s32 $0xED40;
	v9 =	vld.idx.msk [tilespmem:v17+s9+$0x0], $0xffff  }
0xe3: {  	s13 =	simm.s32 $0x8;
	s10 =	simm.s32 $0x13BC0;
	s8 =	simm.s32 $0x13BC0;
	v16 =	vmul.f32 $1.442695020e+00, v15;
	v14 =	vld.idx.msk [tilespmem:v18+s9+$0x0], $0xffff;
	v17 =	vpop (erf)  }
.LBB2_11:
0xe4: {  	v18 =	vld [tilespmem:s14+$0x10];
	s13 =	sadd.s32 $0x8, s13;
	v19 =	vmul.f32 $1.442695020e+00, v10;
	[tilespmem:s12+$0x10] =	vst v17;
	v17 =	vmul.f32 v17, v11;
	s11 =	sadd.s32 $0x80, s11;
	s8 =	sadd.s32 $0x80, s8;
	v20 =	vpop (erf);
	v11 =	vmov v15  }
0xe5: {  	v22 =	vmul.f32 $1.442695020e+00, v12;
	v23 =	vmul.f32 $1.442695020e+00, v7;
	v21 =	vld [tilespmem:s14+$0xFFFFFFE0];
	p0 =	slt.u32 s13, $0x4D8;
	[tilespmem:s12+$0x0] =	vst v20;
	v15 =	vpop (erf)  }
0xe6: {  	v25 =	vmul.f32 $1.442695020e+00, v13;
	v24 =	vld [tilespmem:s14+$0xFFFFFFC0];
	[tilespmem:s12+$0xFFFFFFC0] =	vst v15;
	v26 =	vmul.f32 v15, v1;
	v15 =	vpop (erf);
	v1 =	vmov v10  }
0xe7: {  	v10 =	vmul.f32 $1.442695020e+00, v4;
	v27 =	vld [tilespmem:s14+$0x20];
	[tilespmem:s12+$0xFFFFFFE0] =	vst v15;
	v15 =	vmul.f32 v15, v8;
	v28 =	vpop (erf);
	v8 =	vmov v12  }
0xe8: {  	v30 =	vmul.f32 $1.442695020e+00, v9;
	v29 =	vld [tilespmem:s14+$0xFFFFFFD0];
	v31 =	vmul.f32 v28, v5;
	[tilespmem:s10+$0x10] =	vst v17;
	v12 =	vpop (erf);
	v5 =	vmov v13  }
0xe9: {  	v32 =	vmul.f32 $1.442695020e+00, v14;
	v17 =	vld [tilespmem:s14+$0x0];
	[tilespmem:s10+$0xFFFFFFE0] =	vst v15;
	v33 =	vmul.f32 v12, v3;
	v13 =	vpop (erf);
	v3 =	vmov v7  }
0xea: {  	v34 =	vld [tilespmem:s14+$0x30];
	(erf) = vpow2.f32 v16;
	[tilespmem:s12+$0xFFFFFFF0] =	vst v13;
	v7 =	vmul.f32 v13, v6;
	v13 =	vpop (erf);
	v6 =	vmov v14  }
0xeb: {  	v14 =	vld [tilespmem:s14+$0xFFFFFFF0];
	(erf) = vpow2.f32 v10;
	[tilespmem:s12+$0x20] =	vst v12;
	v16 =	vmul.f32 v13, v2;
	v2 =	vmov v9  }
0xec: {  	v15 =	vld.idx.msk [tilespmem:v18+s9+$0x0], $0xffff;
	(erf) = vpow2.f32 v19;
	[tilespmem:s12+$0xFFFFFFD0] =	vst v28;
	v18 =	vmul.f32 v20, v0;
	v0 =	vmov v4  }
0xed: {  	v12 =	vld.idx.msk [tilespmem:v21+s9+$0x0], $0xffff;
	(erf) = vpow2.f32 v22;
	[tilespmem:s10+$0xFFFFFFF0] =	vst v7  }
0xee: {  	v10 =	vld.idx.msk [tilespmem:v24+s9+$0x0], $0xffff;
	(erf) = vpow2.f32 v25;
	[tilespmem:s12+$0x30] =	vst v13;
	s12 =	smov.u32 s11  }
.Ltmp5:
0xef: {  	v7 =	vld.idx.msk [tilespmem:v27+s9+$0x0], $0xffff;
	(erf) = vpow2.f32 v23;
	[tilespmem:s10+$0xFFFFFFD0] =	vst v31;
	(pc) =	sbr.rel @p0 .LBB2_11-.Ltmp5, $4  }
0xf0: {  	v13 =	vld.idx.msk [tilespmem:v29+s9+$0x0], $0xffff;
	(erf) = vpow2.f32 v32;
	[tilespmem:s10+$0x20] =	vst v33  }
0xf1: {  	v4 =	vld.idx.msk [tilespmem:v17+s9+$0x0], $0xffff;
	(erf) = vpow2.f32 v30;
	[tilespmem:s10+$0x30] =	vst v16  }
0xf2: {  	v9 =	vld.idx.msk [tilespmem:v34+s9+$0x0], $0xffff;
	[tilespmem:s10+$0xFFFFFFC0] =	vst v26  }
0xf3: {  	s14 =	sadd.s32 $0x80, s14;
	v16 =	vmul.f32 $1.442695020e+00, v15;
	v14 =	vld.idx.msk [tilespmem:v14+s9+$0x0], $0xffff;
	v17 =	vpop (erf);
	[tilespmem:s10+$0x0] =	vst v18;
	s10 =	smov.u32 s8  }
0xf4: {  	[tilespmem:s12+$0x10] =	vst v17;
	v18 =	vpop (erf)  }
0xf5: {  	v11 =	vmul.f32 v17, v11;
	[tilespmem:s12+$0x0] =	vst v18;
	v19 =	vpop (erf)  }
0xf6: {  	[tilespmem:s12+$0xFFFFFFC0] =	vst v19  }
0xf7: {  	v0 =	vmul.f32 v18, v0;
	v48 =	vpop (erf);
	[tilespmem:s10+$0x10] =	vst v11  }
0xf8: {  	v20 =	vmul.f32 $1.442695020e+00, v10;
	[tilespmem:s12+$0xFFFFFFE0] =	vst v48;
	v49 =	vpop (erf)  }
0xf9: {  	v23 =	vmul.f32 $1.442695020e+00, v4;
	v1 =	vmul.f32 v19, v1;
	[tilespmem:s10+$0x0] =	vst v0;
	v50 =	vpop (erf)  }
0xfa: {  	v8 =	vmul.f32 v48, v8;
	[tilespmem:s12+$0xFFFFFFD0] =	vst v49;
	v51 =	vpop (erf);
	(erf) = vpow2.f32 v16  }
0xfb: {  	[tilespmem:s10+$0xFFFFFFC0] =	vst v1;
	(erf) = vpow2.f32 v23  }
0xfc: {  	v21 =	vmul.f32 $1.442695020e+00, v12;
	[tilespmem:s10+$0xFFFFFFE0] =	vst v8;
	(erf) = vpow2.f32 v20  }
0xfd: {  	v5 =	vmul.f32 v49, v5;
	[tilespmem:s12+$0x20] =	vst v50  }
0xfe: {  	v24 =	vmul.f32 $1.442695020e+00, v13;
	[tilespmem:s12+$0xFFFFFFF0] =	vst v51;
	v53 =	vpop (erf);
	(erf) = vpow2.f32 v21  }
0xff: {  	v3 =	vmul.f32 v50, v3;
	[tilespmem:s10+$0xFFFFFFD0] =	vst v5  }
0x100: {  	v6 =	vmul.f32 v51, v6;
	[tilespmem:s12+$0x30] =	vst v53;
	(erf) = vpow2.f32 v24  }
0x101: {  	v22 =	vmul.f32 $1.442695020e+00, v7;
	v2 =	vmul.f32 v53, v2;
	[tilespmem:s10+$0x20] =	vst v3  }
0x102: {  	v52 =	vmul.f32 $1.442695020e+00, v14;
	[tilespmem:s10+$0xFFFFFFF0] =	vst v6  }
0x103: {  	s9 =	sadd.s32 $0x80, s11;
	[tilespmem:s10+$0x30] =	vst v2;
	(erf) = vpow2.f32 v22;
	v55 =	vpop (erf)  }
0x104: {  	(erf) = vpow2.f32 v52;
	[tilespmem:s9+$0x10] =	vst v55;
	v56 =	vpop (erf)  }
0x105: {  	v54 =	vmul.f32 $1.442695020e+00, v9;
	v1 =	vmul.f32 v55, v15;
	[tilespmem:s9+$0x0] =	vst v56;
	v57 =	vpop (erf)  }
0x106: {  	s8 =	sadd.s32 $0x80, s8;
	[tilespmem:s9+$0xFFFFFFC0] =	vst v57  }
0x107: {  	(erf) = vpow2.f32 v54;
	v0 =	vmul.f32 v56, v4;
	v58 =	vpop (erf);
	[tilespmem:s8+$0x10] =	vst v1  }
0x108: {  	[tilespmem:s9+$0xFFFFFFE0] =	vst v58  }
0x109: {  	v2 =	vmul.f32 v57, v10;
	v59 =	vpop (erf);
	[tilespmem:s8+$0x0] =	vst v0  }
0x10a: {  	v3 =	vmul.f32 v58, v12;
	[tilespmem:s9+$0xFFFFFFD0] =	vst v59  }
0x10b: {  	[tilespmem:s8+$0xFFFFFFC0] =	vst v2  }
0x10c: {  	v60 =	vpop (erf);
	[tilespmem:s8+$0xFFFFFFE0] =	vst v3  }
0x10d: {  	v5 =	vmul.f32 v59, v13;
	v61 =	vpop (erf);
	[tilespmem:s9+$0x20] =	vst v60  }
0x10e: {  	v1 =	vmul.f32 v60, v7;
	[tilespmem:s9+$0xFFFFFFF0] =	vst v61  }
0x10f: {  	v3 =	vmul.f32 v61, v14;
	[tilespmem:s8+$0xFFFFFFD0] =	vst v5  }
0x110: {  	[tilespmem:s8+$0x20] =	vst v1;
	v62 =	vpop (erf)  }
0x111: {  	[tilespmem:s8+$0xFFFFFFF0] =	vst v3;
	v63 =	vmul.f32 v62, v9  }
0x112: {  	[tilespmem:s9+$0x30] =	vst v62  }
0x113: {  	s9 =	simm.s32 $0x9D00;
	[tilespmem:s8+$0x30] =	vst v63;
	s8 =	simm.s32 $0x0  }
.LBB2_13:
0x114: {  	s10 =	sshra.s32 s8, $0x2  }
0x115: {  	v0 =	vld [tilespmem:s10+$0x4E00];
	_ =	sdelay $0x7  }
0x116: {  	v0 =	vld.idx.msk [tilespmem:v0+s9+$0x0], $0xffff;
	_ =	sdelay $0x4  }
0x117: {  	v1 =	vmul.f32 $1.442695020e+00, v0;
	_ =	sdelay $0x1  }
0x118: {  	(erf) = vpow2.f32 v1;
	_ =	sdelay $0x6  }
0x119: {  	p0 =	sne.s32 s8, $0x40  }
.Ltmp6:
0x11a: {  	_ = 	snop;
	(pc) =	sbr.rel @p0 .LBB2_13-.Ltmp6, $4  }
0x11b: {  	v1 =	vpop (erf)  }
0x11c: {  	v0 =	vmul.f32 v1, v0  }
0x11d: {  	[tilespmem:s10+$0x13B00] =	vst v1  }
0x11e: {  	s8 =	sadd.s32 $0x40, s8;
	[tilespmem:s10+$0x18980] =	vst v0  }
0x11f: {  	s8 =	simm.s32 $0x4E20  }
0x120: {  	s9 =	simm.s32 $0x4E80;
	s10 =	simm.s32 $0xED00;
	s25 =	simm.s32 $0x3  }
0x121: {  	[spmem:s4] =	stream.indirect.scatter.add.f32 [tilespmem:s10], [sflag:$0x3], $0x1, s9, s8, $0xb8;
	[tilespmem:$0x19680] =	vst v63  }
0x122: {  	_ =	swait.ge [sflag:s25], $0x4E20  }
0x123: {  	[sflag:s25] =	ssyncset.done $0x0  }
0x124: {  	s26 =	simm.s32 $0x13B80;
	[sflag:s25] =	ssyncadd.s32 $0xFFFFB1E0  }
0x125: {  	[spmem:s3] =	stream.indirect.scatter.add.f32 [tilespmem:s26], [sflag:$0x3], $0x1, s9, s8, $0xb8;
	[tilespmem:$0x19680] =	vst v63  }
0x126: {  	_ =	swait.ge [sflag:s25], $0x4E20  }
0x127: {  	[sflag:s25] =	ssyncset.done $0x0  }
0x128: {  	[sflag:s25] =	ssyncadd.s32 $0xFFFFB1E0  }
0x129: {  	s28 =	simm.s32 $0x18A00;
	[bflag:$0x0] =	sbarrier.arrive $0xFFFF  }
0x12a: {  	[tilespmem:s28], [sflag:$0x3] =	stream.linear.gather [spmem:s5], $0x280, $0x38;
	[tilespmem:$0x19680] =	vst v63  }
0x12b: {  	_ =	swait.ge [sflag:s25], $0x280  }
0x12c: {  	[sflag:s25] =	ssyncset.done $0x0  }
0x12d: {  	s29 =	simm.s32 $0x18C80;
	[sflag:s25] =	ssyncadd.s32 $0xFFFFFD80  }
0x12e: {  	[tilespmem:s29], [sflag:$0x3] =	stream.linear.gather [spmem:s6], $0x280, $0x38;
	[tilespmem:$0x19680] =	vst v63  }
0x12f: {  	_ =	swait.ge [sflag:s25], $0x280  }
0x130: {  	[sflag:s25] =	ssyncset.done $0x0  }
0x131: {  	s30 =	simm.s32 $0x18A40;
	[sflag:s25] =	ssyncadd.s32 $0xFFFFFD80  }
0x132: {  	v0 =	vld [tilespmem:s30+$0x30]  }
0x133: {  	v1 =	vld [tilespmem:s30+$0xFFFFFFC0]  }
0x134: {  	v2 =	vld [tilespmem:s30+$0xFFFFFFD0]  }
0x135: {  	v3 =	vld [tilespmem:s30+$0xFFFFFFE0]  }
0x136: {  	v4 =	vld [tilespmem:s30+$0xFFFFFFF0]  }
0x137: {  	v5 =	vld [tilespmem:s30+$0x0]  }
0x138: {  	v6 =	vld [tilespmem:s30+$0x10];
	v0 =	vadd.f32 $1.000000020e-16, v0  }
0x139: {  	s3 =	simm.s32 $0x18CC0;
	v7 =	vld [tilespmem:s30+$0x20];
	v1 =	vadd.f32 $1.000000020e-16, v1  }
0x13a: {  	v8 =	vld [tilespmem:s3+$0x30];
	v2 =	vadd.f32 $1.000000020e-16, v2;
	(erf) = vrcp.f32 v0  }
0x13b: {  	v9 =	vld [tilespmem:s3+$0xFFFFFFD0];
	(erf) = vrcp.f32 v1  }
0x13c: {  	s31 =	simm.s32 $0x18AC0;
	v10 =	vld [tilespmem:s3+$0xFFFFFFE0];
	v0 =	vadd.f32 $1.000000020e-16, v3;
	(erf) = vrcp.f32 v2  }
0x13d: {  	v3 =	vadd.f32 $1.000000020e-16, v4;
	v2 =	vld [tilespmem:s31+$0x30]  }
0x13e: {  	v4 =	vadd.f32 $1.000000020e-16, v5;
	(erf) = vrcp.f32 v0;
	v0 =	vld [tilespmem:s31+$0xFFFFFFC0]  }
0x13f: {  	v5 =	vadd.f32 $1.000000020e-16, v6;
	(erf) = vrcp.f32 v3;
	v3 =	vld [tilespmem:s31+$0xFFFFFFD0]  }
0x140: {  	v6 =	vadd.f32 $1.000000020e-16, v7;
	(erf) = vrcp.f32 v4;
	v4 =	vld [tilespmem:s31+$0xFFFFFFE0]  }
0x141: {  	(erf) = vrcp.f32 v5;
	v5 =	vld [tilespmem:s31+$0xFFFFFFF0]  }
0x142: {  	(erf) = vrcp.f32 v6;
	v6 =	vld [tilespmem:s31+$0x0];
	v2 =	vadd.f32 $1.000000020e-16, v2  }
0x143: {  	v11 =	vld [tilespmem:s31+$0x10];
	v7 =	vadd.f32 $1.000000020e-16, v0;
	v12 =	vpop (erf)  }
0x144: {  	v13 =	vld [tilespmem:s31+$0x20];
	v3 =	vadd.f32 $1.000000020e-16, v3;
	(erf) = vrcp.f32 v2;
	v0 =	vpop (erf)  }
0x145: {  	v1 =	vld [tilespmem:s3+$0xFFFFFFF0];
	v2 =	vadd.f32 $1.000000020e-16, v4;
	(erf) = vrcp.f32 v7;
	v4 =	vmul.f32 v12, v8;
	v8 =	vpop (erf)  }
0x146: {  	v7 =	vld [tilespmem:s3+$0x0];
	(erf) = vrcp.f32 v3;
	v3 =	vmul.f32 v8, v9  }
0x147: {  	v59 =	vld [tilespmem:s3+$0x10];
	v5 =	vadd.f32 $1.000000020e-16, v5;
	v6 =	vadd.f32 $1.000000020e-16, v6  }
0x148: {  	v60 =	vld [tilespmem:s3+$0x20];
	v8 =	vpop (erf);
	(erf) = vrcp.f32 v2  }
0x149: {  	s4 =	simm.s32 $0x18D40;
	v61 =	vadd.f32 $1.000000020e-16, v11;
	[tilespmem:s3+$0x30] =	vst v4;
	v4 =	vld [tilespmem:s3+$0xFFFFFFC0];
	v2 =	vmul.f32 v8, v10;
	v8 =	vpop (erf);
	(erf) = vrcp.f32 v5  }
0x14a: {  	v5 =	vld [tilespmem:s4+$0x30];
	[tilespmem:s3+$0xFFFFFFD0] =	vst v3;
	v1 =	vmul.f32 v8, v1;
	v8 =	vadd.f32 $1.000000020e-16, v13;
	(erf) = vrcp.f32 v6;
	v3 =	vpop (erf)  }
0x14b: {  	[tilespmem:s3+$0xFFFFFFE0] =	vst v2;
	v2 =	vld [tilespmem:s4+$0xFFFFFFD0];
	(erf) = vrcp.f32 v61;
	v6 =	vpop (erf);
	v62 =	vmul.f32 v3, v7  }
0x14c: {  	[tilespmem:s3+$0xFFFFFFF0] =	vst v1;
	v1 =	vld [tilespmem:s4+$0xFFFFFFF0];
	(erf) = vrcp.f32 v8;
	v63 =	vpop (erf);
	v7 =	vmul.f32 v6, v59  }
0x14d: {  	s5 =	simm.s32 $0x8;
	s6 =	simm.s32 $0x18B40;
	v3 =	vld [tilespmem:s4+$0xFFFFFFE0];
	[tilespmem:s3+$0x0] =	vst v62;
	v6 =	vmul.f32 v63, v60  }
.LBB2_15:
0x14e: {  	v8 =	vld [tilespmem:s6+$0x30];
	s5 =	sadd.s32 $0x8, s5;
	v9 =	vpop (erf);
	v4 =	vmul.f32 v0, v4;
	[tilespmem:s3+$0x10] =	vst v7  }
0x14f: {  	v7 =	vld [tilespmem:s6+$0xFFFFFFC0];
	p0 =	slt.u32 s5, $0x20;
	v10 =	vmul.f32 v9, v5;
	v0 =	vpop (erf);
	[tilespmem:s3+$0x20] =	vst v6  }
0x150: {  	v6 =	vld [tilespmem:s6+$0xFFFFFFD0];
	v9 =	vpop (erf);
	[tilespmem:s3+$0xFFFFFFC0] =	vst v4;
	s3 =	smov.u32 s4  }
0x151: {  	v4 =	vld [tilespmem:s6+$0xFFFFFFE0];
	v2 =	vmul.f32 v9, v2;
	[tilespmem:s4+$0x30] =	vst v10;
	v5 =	vpop (erf)  }
0x152: {  	v9 =	vld [tilespmem:s6+$0xFFFFFFF0];
	v3 =	vmul.f32 v5, v3;
	v5 =	vpop (erf)  }
0x153: {  	v10 =	vld [tilespmem:s6+$0x0];
	v12 =	vadd.f32 $1.000000020e-16, v8;
	[tilespmem:s4+$0xFFFFFFD0] =	vst v2;
	v1 =	vmul.f32 v5, v1;
	v11 =	vpop (erf)  }
0x154: {  	v2 =	vadd.f32 $1.000000020e-16, v7;
	v5 =	vld [tilespmem:s6+$0x10];
	[tilespmem:s4+$0xFFFFFFE0] =	vst v3;
	v7 =	vpop (erf)  }
0x155: {  	v3 =	vadd.f32 $1.000000020e-16, v6;
	v6 =	vld [tilespmem:s6+$0x20];
	(erf) = vrcp.f32 v12;
	[tilespmem:s4+$0xFFFFFFF0] =	vst v1;
	v8 =	vpop (erf)  }
0x156: {  	v1 =	vadd.f32 $1.000000020e-16, v4;
	(erf) = vrcp.f32 v2;
	v12 =	vld [tilespmem:s4+$0x0]  }
0x157: {  	v2 =	vadd.f32 $1.000000020e-16, v9;
	(erf) = vrcp.f32 v3;
	v9 =	vld [tilespmem:s4+$0x10]  }
0x158: {  	v3 =	vadd.f32 $1.000000020e-16, v10;
	(erf) = vrcp.f32 v1;
	v10 =	vld [tilespmem:s4+$0x20]  }
.Ltmp7:
0x159: {  	s4 =	sadd.s32 $0x80, s4;
	v1 =	vadd.f32 $1.000000020e-16, v5;
	(erf) = vrcp.f32 v2;
	v4 =	vld [tilespmem:s3+$0xFFFFFFC0];
	(pc) =	sbr.rel @p0 .LBB2_15-.Ltmp7, $4  }
0x15a: {  	v6 =	vadd.f32 $1.000000020e-16, v6;
	v5 =	vld [tilespmem:s4+$0x30];
	(erf) = vrcp.f32 v3  }
0x15b: {  	v2 =	vld [tilespmem:s4+$0xFFFFFFD0];
	(erf) = vrcp.f32 v1;
	v11 =	vmul.f32 v11, v12  }
0x15c: {  	v3 =	vld [tilespmem:s4+$0xFFFFFFE0];
	(erf) = vrcp.f32 v6;
	v7 =	vmul.f32 v7, v9  }
0x15d: {  	s6 =	sadd.s32 $0x80, s6;
	v1 =	vld [tilespmem:s4+$0xFFFFFFF0];
	[tilespmem:s3+$0x0] =	vst v11;
	v6 =	vmul.f32 v8, v10  }
0x15e: {  	v8 =	vpop (erf)  }
0x15f: {  	v0 =	vmul.f32 v0, v4;
	[tilespmem:s3+$0x10] =	vst v7;
	v58 =	vld [tilespmem:s4+$0xFFFFFFC0];
	v50 =	vpop (erf)  }
0x160: {  	v51 =	vld [tilespmem:s4+$0x0];
	v5 =	vmul.f32 v8, v5;
	[tilespmem:s3+$0x20] =	vst v6;
	v52 =	vpop (erf)  }
0x161: {  	v53 =	vld [tilespmem:s4+$0x10];
	[tilespmem:s3+$0xFFFFFFC0] =	vst v0;
	v54 =	vmul.f32 v52, v2;
	v55 =	vpop (erf)  }
0x162: {  	v56 =	vld [tilespmem:s4+$0x20];
	[tilespmem:s4+$0x30] =	vst v5;
	v2 =	vmul.f32 v55, v3;
	v57 =	vpop (erf)  }
0x163: {  	[tilespmem:s4+$0xFFFFFFD0] =	vst v54;
	v59 =	vmul.f32 v57, v1  }
0x164: {  	v60 =	vpop (erf);
	v63 =	vmul.f32 v50, v58;
	[tilespmem:s4+$0xFFFFFFE0] =	vst v2  }
0x165: {  	v61 =	vpop (erf);
	v1 =	vmul.f32 v60, v51;
	[tilespmem:s4+$0xFFFFFFF0] =	vst v59  }
0x166: {  	v62 =	vpop (erf);
	v2 =	vmul.f32 v61, v53;
	[tilespmem:s4+$0xFFFFFFC0] =	vst v63  }
0x167: {  	[tilespmem:s4+$0x0] =	vst v1;
	v0 =	vmul.f32 v62, v56  }
0x168: {  	s2 =	sadd.s32 s2, s7;
	[tilespmem:s4+$0x10] =	vst v2  }
0x169: {  	s29 =	simm.s32 $0x0;
	s30 =	simm.s32 $0x18C80;
	s31 =	simm.s32 $0x3;
	[tilespmem:s4+$0x20] =	vst v0  }
0x16a: {  	[hbm4b:s2+s29] =	stream.linear.scatter [tilespmem:s30], [sflag:$0x3], $0x280, $0x38;
	[tilespmem:$0x19680] =	vst v63  }
0x16b: {  	_ =	swait.ge [sflag:s31], $0x280  }
0x16c: {  	[sflag:s31] =	ssyncset.done $0x0  }
0x16d: {  	[sflag:s31] =	ssyncadd.s32 $0xFFFFFD80  }
0x16e: {  	_ =	sfence.sel $0x180000  }
0x16f: {  	[bflag:$0x0] =	sbarrier.arrive $0xFFFF  }
0x170: {  	p0 =	sne.s32 s0, $0x0;
	_ =	strace $0x90000047  }
0x171: {  	s0 =	sadd.s32 @!p0 $0x100000, s1;
	[bflag:$0x2] =	sbarrier.arrive $0xFFFF  }
0x172: {  	[sflag:s0] =	ssyncadd.tile.s32 @!p0 $0x1;
	_ =	shalt  }
.Lfunc_end2:
_tile_overlayer_lowered:
.L_overlay_start_2:
0x173: {  	(tag) =	ssettag $0x2  }
0x174: {  	s0 =	rddreg [dreg:$0x0];
	s2 =	stileid.u32  }
0x175: {  	s1 =	rddreg [dreg:$0x1];
	p0 =	sne.s32 s2, $0x0  }
0x176: {  	s3 =	rddreg [dreg:$0x2];
	[bflag:$0x3] =	sbarrier.arrive $0xFFFF;
	s2 =	simm.s32 @!p0 $0x1C03  }
0x177: {  	[timem:s3], [sflag:s2] =	dma.local @!p0 [hbm:s0], s1  }
0x178: {  	s0 =	simm.s32 @!p0 $0x3  }
0x179: {  	_ =	swait.ge @!p0 [sflag:s0], s1  }
0x17a: {  	s1 =	ssub.s32 @!p0 $0x0, s1;
	[sflag:s0] =	ssyncset.done @!p0 $0x0  }
0x17b: {  	[sflag:s0] =	ssyncadd.s32 @!p0 s1  }
0x17c: {  	[bflag:$0x3] =	sbarrier.arrive $0xFFFF  }
0x17d: {  	_ =	shalt  }

</sc_bundles>
